<compile_context>
chip_gen: v7x
topology: tpu7x:2x2x1
jax: 0.10.2.dev20260603
libtpu: 0.0.44.dev20260713+nightly
codegen_flags: <defaults>
</compile_context>

<pallas_src>
import functools

import jax
import jax.numpy as jnp
from jax import lax
from jax.experimental import pallas as pl
from jax.experimental.pallas import tpu as pltpu
from jax.experimental.pallas import tpu_sc as plsc

D = 32
NW = 32
CHUNK = 128
BLK = 512
NG = BLK // CHUNK


def _emb_kernel(s_len, b_len):
    n_units = (s_len * b_len) // (NW * BLK)
    assert n_units % 2 == 0
    blk_per_s = b_len // BLK
    mesh = plsc.VectorSubcoreMesh(core_axis_name="c", subcore_axis_name="s")

    @functools.partial(
        pl.kernel,
        out_type=jax.ShapeDtypeStruct((s_len, D, b_len), jnp.float32),
        mesh=mesh,
        compiler_params=pltpu.CompilerParams(use_tc_tiling_on_sc=False, needs_layout_passes=False, disable_bounds_checks=True),
        scratch_types=[
            pltpu.VMEM((2, BLK), jnp.int32),
            pltpu.VMEM((2, BLK, D), jnp.float32),
            pltpu.VMEM((D, BLK + 1), jnp.float32),
            pltpu.VMEM((D, BLK + 1), jnp.float32),
        ] + [pltpu.SemaphoreType.DMA] * 4,
    )
    def emb(idx_hbm, table_hbm, out_hbm, idx_v, rows_v, ta, tb, g0, g1, w0, w1):
        trs = (ta, tb)
        gsem = (g0, g1)
        wsem = (w0, w1)
        wid = lax.axis_index("s") * 2 + lax.axis_index("c")
        u0 = wid * n_units
        lane = lax.iota(jnp.int32, 16)

        def stage(u, p):
            pltpu.sync_copy(idx_hbm.at[pl.ds(u * BLK, BLK)], idx_v.at[p])
            for k in range(NG):
                pltpu.async_copy(
                    table_hbm.at[idx_v.at[p, pl.ds(k * CHUNK, CHUNK)]],
                    rows_v.at[p, pl.ds(k * CHUNK, CHUNK)],
                    gsem[p],
                )

        def gwait(p):
            for _ in range(NG):
                pltpu.make_async_copy(
                    table_hbm.at[idx_v.at[p, pl.ds(0, CHUNK)]],
                    rows_v.at[p, pl.ds(0, CHUNK)],
                    gsem[p],
                ).wait()

        def out_slice(u):
            s = u // blk_per_s
            blk = u % blk_per_s
            return out_hbm.at[s, :, pl.ds(blk * BLK, BLK)]

        stage(u0, 0)

        def pair_body(g, carry):
            for p in range(2):
                u = u0 + 2 * g + p
                gwait(p)

                @pl.when(2 * g + p + 1 < n_units)
                def _():
                    stage(u + 1, 1 - p)

                @pl.when(2 * g + p >= 2)
                def _():
                    pltpu.make_async_copy(
                        trs[p].at[:, pl.ds(0, BLK)], out_slice(u), wsem[p]).wait()

                tr = trs[p]

                @plsc.parallel_loop(0, BLK, step=1, unroll=8)
                def _(t):
                    tf = jnp.full((16,), t, jnp.int32)
                    v0 = rows_v[p, t, pl.ds(0, 16)]
                    v1 = rows_v[p, t, pl.ds(16, 16)]
                    plsc.store_scatter(tr, [lane, tf], v0)
                    plsc.store_scatter(tr, [lane + 16, tf], v1)
                pltpu.async_copy(tr.at[:, pl.ds(0, BLK)], out_slice(u), wsem[p])
            return carry

        lax.fori_loop(0, n_units // 2, pair_body, 0, unroll=False)
        for p in range(2):
            u = u0 + n_units - 2 + p
            pltpu.make_async_copy(trs[p].at[:, pl.ds(0, BLK)], out_slice(u), wsem[p]).wait()

    return emb


def kernel(x, table):
    b, s = x.shape
    xt = x.T.reshape(-1).astype(jnp.int32)
    t_lin = jax.lax.optimization_barrier(table.reshape(250000, 128))
    t2 = t_lin.reshape(1000000, 32)
    out = _emb_kernel(s, b)(xt, t2)
    return out.transpose(2, 0, 1)

# --- scband reference (transcript-rebuilt; emitter-appended) ---
"""Pipeline reference for scband-token-embedding-83906481094962 (READ-ONLY COPY).

The authoritative reference and input builder live on the scoring server;
editing this copy changes nothing except your own understanding.
"""

import jax, jax.numpy as jnp
import numpy as np

VOCAB = 1000000
EMBED_DIM = 32
PADDING_IDX = 0

def setup_inputs(seed: int = 0) -> dict:
    key = jax.random.key(seed)
    k_idx, k_tab = jax.random.split(key)
    x = jax.random.randint(k_idx, (4096, 200), 0, VOCAB, dtype=jnp.int64 if jax.config.jax_enable_x64 else jnp.int32)
    table = jax.random.normal(k_tab, (VOCAB, EMBED_DIM), dtype=jnp.float32)
    # nn.Embedding with padding_idx zeros that row at init
    table = table.at[PADDING_IDX].set(0.0)
    return {"x": x, "table": table}

def reference(x, table):
    # Faithful to nn.Embedding(vocab, dim, padding_idx=0): the padding row is zero,
    # lookup is a gather along axis 0.
    table = table.at[PADDING_IDX].set(0.0)
    return jnp.take(table, x, axis=0)

if __name__ == "__main__":
    import jax
    _d = setup_inputs()
    print(jax.jit(kernel)(*tuple(_d.values())))

</pallas_src>

<mosaic_0001>
#map = affine_map<(d0, d1) -> (0)>
#map1 = affine_map<(d0, d1) -> (0, 0)>
#map2 = affine_map<(d0, d1) -> (0, 0, 0)>
module attributes {stable_mosaic.version = 14 : i64} {
  func.func @emb(%arg0: i32, %arg1: i32, %arg2: memref<819200xi32, #tpu.memory_space<hbm>>, %arg3: memref<1000000x32xf32, #tpu.memory_space<hbm>>, %arg4: memref<200x32x4096xf32, #tpu.memory_space<hbm>>, %arg5: memref<2x512xi32, #tpu.memory_space<vmem>>, %arg6: memref<2x512x32xf32, #tpu.memory_space<vmem>>, %arg7: memref<32x513xf32, #tpu.memory_space<vmem>>, %arg8: memref<32x513xf32, #tpu.memory_space<vmem>>, %arg9: memref<!tpu.dma_semaphore, #tpu.memory_space<semaphore_mem>>, %arg10: memref<!tpu.dma_semaphore, #tpu.memory_space<semaphore_mem>>, %arg11: memref<!tpu.dma_semaphore, #tpu.memory_space<semaphore_mem>>, %arg12: memref<!tpu.dma_semaphore, #tpu.memory_space<semaphore_mem>>) attributes {dimension_semantics = [#tpu.dimension_semantics<core_parallel>, #tpu.dimension_semantics<subcore_parallel>], iteration_bounds = array<i64: 2, 16>, scalar_prefetch = 0 : i64, scratch_operands = 8 : i64, tpu.core_type = #tpu.core_type<sc_vector_subcore>, window_params = [{transform_indices = #map}, {transform_indices = #map1}, {transform_indices = #map2}]} {
    %mul3A = arith.constant 2 : i32
    %mul3A_0 = arith.muli %arg1, %mul3A : i32
    %add3A = arith.addi %mul3A_0, %arg0 : i32
    %mul3A_1 = arith.constant 50 : i32
    %mul3A_2 = arith.muli %add3A, %mul3A_1 : i32
    %iota3A = tpu.iota {dimensions = array<i32: 0>} : vector<16xi32>
    %mul3A_3 = arith.constant 512 : i32
    %mul3A_4 = arith.muli %mul3A_2, %mul3A_3 : i32
    %run_scoped3A = arith.constant 0 : i32
    "tpu.region"() ({
      %run_scoped3A_166 = tpu.sem_alloc : memref<!tpu.dma_semaphore, #tpu.memory_space<semaphore_mem>>
      %dma_start3A_167 = arith.constant 0 : i32
      %dma_start3A_168 = tpu.memref_slice %arg5[%run_scoped3A, %dma_start3A_167] : memref<2x512xi32, #tpu.memory_space<vmem>> -> memref<1x512xi32, #tpu.memory_space<vmem>>
      %dma_start3A_169 = tpu.memref_squeeze %dma_start3A_168 : memref<1x512xi32, #tpu.memory_space<vmem>> -> memref<512xi32, #tpu.memory_space<vmem>>
      %dma_start3A_170 = tpu.memref_slice %arg2[%mul3A_4] : memref<819200xi32, #tpu.memory_space<hbm>> -> memref<512xi32, #tpu.memory_space<hbm>>
      %dma_start3A_171 = arith.constant 0 : i32
      %dma_start3A_172 = tpu.memref_slice %arg5[%run_scoped3A, %dma_start3A_171] : memref<2x512xi32, #tpu.memory_space<vmem>> -> memref<1x512xi32, #tpu.memory_space<vmem>>
      %dma_start3A_173 = tpu.memref_squeeze %dma_start3A_172 : memref<1x512xi32, #tpu.memory_space<vmem>> -> memref<512xi32, #tpu.memory_space<vmem>>
      %dma_start3A_174 = tpu.memref_slice %arg2[%mul3A_4] : memref<819200xi32, #tpu.memory_space<hbm>> -> memref<512xi32, #tpu.memory_space<hbm>>
      tpu.enqueue_dma source(%dma_start3A_174 : memref<512xi32, #tpu.memory_space<hbm>>) target(%dma_start3A_173 : memref<512xi32, #tpu.memory_space<vmem>>) target_semaphore(%run_scoped3A_166 : memref<!tpu.dma_semaphore, #tpu.memory_space<semaphore_mem>>)
      %dma_wait3A_175 = arith.constant 0 : i32
      %dma_wait3A_176 = tpu.memref_slice %arg5[%run_scoped3A, %dma_wait3A_175] : memref<2x512xi32, #tpu.memory_space<vmem>> -> memref<1x512xi32, #tpu.memory_space<vmem>>
      %dma_wait3A_177 = tpu.memref_squeeze %dma_wait3A_176 : memref<1x512xi32, #tpu.memory_space<vmem>> -> memref<512xi32, #tpu.memory_space<vmem>>
      %dma_wait3A_178 = tpu.memref_slice %arg2[%mul3A_4] : memref<819200xi32, #tpu.memory_space<hbm>> -> memref<512xi32, #tpu.memory_space<hbm>>
      %dma_wait3A_179 = arith.constant 0 : i32
      %dma_wait3A_180 = tpu.memref_slice %arg5[%run_scoped3A, %dma_wait3A_179] : memref<2x512xi32, #tpu.memory_space<vmem>> -> memref<1x512xi32, #tpu.memory_space<vmem>>
      %dma_wait3A_181 = tpu.memref_squeeze %dma_wait3A_180 : memref<1x512xi32, #tpu.memory_space<vmem>> -> memref<512xi32, #tpu.memory_space<vmem>>
      %dma_wait3A_182 = tpu.memref_slice %arg2[%mul3A_4] : memref<819200xi32, #tpu.memory_space<hbm>> -> memref<512xi32, #tpu.memory_space<hbm>>
      tpu.wait_dma2 semaphore(%run_scoped3A_166 : memref<!tpu.dma_semaphore, #tpu.memory_space<semaphore_mem>>) src(%dma_wait3A_182 : memref<512xi32, #tpu.memory_space<hbm>>) dst(%dma_wait3A_181 : memref<512xi32, #tpu.memory_space<vmem>>)
      tpu.yield
    }) : () -> ()
    %dma_start3A = arith.constant 0 : i32
    %dma_start3A_5 = arith.constant 0 : i32
    %dma_start3A_6 = arith.constant 0 : i32
    %dma_start3A_7 = arith.constant 0 : i32
    %dma_start3A_8 = tpu.memref_slice %arg6[%dma_start3A_5, %dma_start3A_6, %dma_start3A_7] : memref<2x512x32xf32, #tpu.memory_space<vmem>> -> memref<1x128x32xf32, #tpu.memory_space<vmem>>
    %dma_start3A_9 = tpu.memref_squeeze %dma_start3A_8 : memref<1x128x32xf32, #tpu.memory_space<vmem>> -> memref<128x32xf32, #tpu.memory_space<vmem>>
    %dma_start3A_10 = arith.constant 0 : i32
    %dma_start3A_11 = tpu.memref_slice %arg5[%dma_start3A, %dma_start3A_10] : memref<2x512xi32, #tpu.memory_space<vmem>> -> memref<1x128xi32, #tpu.memory_space<vmem>>
    %dma_start3A_12 = tpu.memref_squeeze %dma_start3A_11 : memref<1x128xi32, #tpu.memory_space<vmem>> -> memref<128xi32, #tpu.memory_space<vmem>>
    %dma_start3A_13 = arith.constant 0 : i32
    %dma_start3A_14 = arith.constant 0 : i32
    %dma_start3A_15 = tpu.memref_slice %arg3[%dma_start3A_13, %dma_start3A_14] : memref<1000000x32xf32, #tpu.memory_space<hbm>> -> memref<1000000x32xf32, #tpu.memory_space<hbm>>
    tpu.enqueue_indirect_dma source(%dma_start3A_15 : memref<1000000x32xf32, #tpu.memory_space<hbm>>) target(%dma_start3A_9 : memref<128x32xf32, #tpu.memory_space<vmem>>) offsets(%dma_start3A_12 : memref<128xi32, #tpu.memory_space<vmem>>) semaphore(%arg9 : memref<!tpu.dma_semaphore, #tpu.memory_space<semaphore_mem>>)
    %dma_start3A_16 = arith.constant 0 : i32
    %dma_start3A_17 = arith.constant 0 : i32
    %dma_start3A_18 = arith.constant 128 : i32
    %dma_start3A_19 = arith.constant 0 : i32
    %dma_start3A_20 = tpu.memref_slice %arg6[%dma_start3A_17, %dma_start3A_18, %dma_start3A_19] : memref<2x512x32xf32, #tpu.memory_space<vmem>> -> memref<1x128x32xf32, #tpu.memory_space<vmem>>
    %dma_start3A_21 = tpu.memref_squeeze %dma_start3A_20 : memref<1x128x32xf32, #tpu.memory_space<vmem>> -> memref<128x32xf32, #tpu.memory_space<vmem>>
    %dma_start3A_22 = arith.constant 128 : i32
    %dma_start3A_23 = tpu.memref_slice %arg5[%dma_start3A_16, %dma_start3A_22] : memref<2x512xi32, #tpu.memory_space<vmem>> -> memref<1x128xi32, #tpu.memory_space<vmem>>
    %dma_start3A_24 = tpu.memref_squeeze %dma_start3A_23 : memref<1x128xi32, #tpu.memory_space<vmem>> -> memref<128xi32, #tpu.memory_space<vmem>>
    %dma_start3A_25 = arith.constant 0 : i32
    %dma_start3A_26 = arith.constant 0 : i32
    %dma_start3A_27 = tpu.memref_slice %arg3[%dma_start3A_25, %dma_start3A_26] : memref<1000000x32xf32, #tpu.memory_space<hbm>> -> memref<1000000x32xf32, #tpu.memory_space<hbm>>
    tpu.enqueue_indirect_dma source(%dma_start3A_27 : memref<1000000x32xf32, #tpu.memory_space<hbm>>) target(%dma_start3A_21 : memref<128x32xf32, #tpu.memory_space<vmem>>) offsets(%dma_start3A_24 : memref<128xi32, #tpu.memory_space<vmem>>) semaphore(%arg9 : memref<!tpu.dma_semaphore, #tpu.memory_space<semaphore_mem>>)
    %dma_start3A_28 = arith.constant 0 : i32
    %dma_start3A_29 = arith.constant 0 : i32
    %dma_start3A_30 = arith.constant 256 : i32
    %dma_start3A_31 = arith.constant 0 : i32
    %dma_start3A_32 = tpu.memref_slice %arg6[%dma_start3A_29, %dma_start3A_30, %dma_start3A_31] : memref<2x512x32xf32, #tpu.memory_space<vmem>> -> memref<1x128x32xf32, #tpu.memory_space<vmem>>
    %dma_start3A_33 = tpu.memref_squeeze %dma_start3A_32 : memref<1x128x32xf32, #tpu.memory_space<vmem>> -> memref<128x32xf32, #tpu.memory_space<vmem>>
    %dma_start3A_34 = arith.constant 256 : i32
    %dma_start3A_35 = tpu.memref_slice %arg5[%dma_start3A_28, %dma_start3A_34] : memref<2x512xi32, #tpu.memory_space<vmem>> -> memref<1x128xi32, #tpu.memory_space<vmem>>
    %dma_start3A_36 = tpu.memref_squeeze %dma_start3A_35 : memref<1x128xi32, #tpu.memory_space<vmem>> -> memref<128xi32, #tpu.memory_space<vmem>>
    %dma_start3A_37 = arith.constant 0 : i32
    %dma_start3A_38 = arith.constant 0 : i32
    %dma_start3A_39 = tpu.memref_slice %arg3[%dma_start3A_37, %dma_start3A_38] : memref<1000000x32xf32, #tpu.memory_space<hbm>> -> memref<1000000x32xf32, #tpu.memory_space<hbm>>
    tpu.enqueue_indirect_dma source(%dma_start3A_39 : memref<1000000x32xf32, #tpu.memory_space<hbm>>) target(%dma_start3A_33 : memref<128x32xf32, #tpu.memory_space<vmem>>) offsets(%dma_start3A_36 : memref<128xi32, #tpu.memory_space<vmem>>) semaphore(%arg9 : memref<!tpu.dma_semaphore, #tpu.memory_space<semaphore_mem>>)
    %dma_start3A_40 = arith.constant 0 : i32
    %dma_start3A_41 = arith.constant 0 : i32
    %dma_start3A_42 = arith.constant 384 : i32
    %dma_start3A_43 = arith.constant 0 : i32
    %dma_start3A_44 = tpu.memref_slice %arg6[%dma_start3A_41, %dma_start3A_42, %dma_start3A_43] : memref<2x512x32xf32, #tpu.memory_space<vmem>> -> memref<1x128x32xf32, #tpu.memory_space<vmem>>
    %dma_start3A_45 = tpu.memref_squeeze %dma_start3A_44 : memref<1x128x32xf32, #tpu.memory_space<vmem>> -> memref<128x32xf32, #tpu.memory_space<vmem>>
    %dma_start3A_46 = arith.constant 384 : i32
    %dma_start3A_47 = tpu.memref_slice %arg5[%dma_start3A_40, %dma_start3A_46] : memref<2x512xi32, #tpu.memory_space<vmem>> -> memref<1x128xi32, #tpu.memory_space<vmem>>
    %dma_start3A_48 = tpu.memref_squeeze %dma_start3A_47 : memref<1x128xi32, #tpu.memory_space<vmem>> -> memref<128xi32, #tpu.memory_space<vmem>>
    %dma_start3A_49 = arith.constant 0 : i32
    %dma_start3A_50 = arith.constant 0 : i32
    %dma_start3A_51 = tpu.memref_slice %arg3[%dma_start3A_49, %dma_start3A_50] : memref<1000000x32xf32, #tpu.memory_space<hbm>> -> memref<1000000x32xf32, #tpu.memory_space<hbm>>
    tpu.enqueue_indirect_dma source(%dma_start3A_51 : memref<1000000x32xf32, #tpu.memory_space<hbm>>) target(%dma_start3A_45 : memref<128x32xf32, #tpu.memory_space<vmem>>) offsets(%dma_start3A_48 : memref<128xi32, #tpu.memory_space<vmem>>) semaphore(%arg9 : memref<!tpu.dma_semaphore, #tpu.memory_space<semaphore_mem>>)
    %scan3A = arith.constant 0 : i32
    %scan3A_52 = arith.constant 0 : i32
    %scan3A_53 = arith.constant 25 : i32
    %scan3A_54 = arith.addi %scan3A_52, %scan3A_53 : i32
    %scan3A_55 = arith.constant 1 : i32
    scf.for %scan3A_166 = %scan3A_52 to %scan3A_54 step %scan3A_55  : i32 {
      %mul3A_167 = arith.constant 2 : i32
      %mul3A_168 = arith.muli %mul3A_167, %scan3A_166 : i32
      %add3A_169 = arith.addi %mul3A_2, %mul3A_168 : i32
      %add3A_170 = arith.constant 0 : i32
      %add3A_171 = arith.addi %add3A_169, %add3A_170 : i32
      %dma_wait3A_172 = arith.constant 0 : i32
      %dma_wait3A_173 = arith.constant 0 : i32
      %dma_wait3A_174 = arith.constant 0 : i32
      %dma_wait3A_175 = arith.constant 0 : i32
      %dma_wait3A_176 = tpu.memref_slice %arg6[%dma_wait3A_173, %dma_wait3A_174, %dma_wait3A_175] : memref<2x512x32xf32, #tpu.memory_space<vmem>> -> memref<1x128x32xf32, #tpu.memory_space<vmem>>
      %dma_wait3A_177 = tpu.memref_squeeze %dma_wait3A_176 : memref<1x128x32xf32, #tpu.memory_space<vmem>> -> memref<128x32xf32, #tpu.memory_space<vmem>>
      %dma_wait3A_178 = arith.constant 0 : i32
      %dma_wait3A_179 = tpu.memref_slice %arg5[%dma_wait3A_172, %dma_wait3A_178] : memref<2x512xi32, #tpu.memory_space<vmem>> -> memref<1x128xi32, #tpu.memory_space<vmem>>
      %dma_wait3A_180 = tpu.memref_squeeze %dma_wait3A_179 : memref<1x128xi32, #tpu.memory_space<vmem>> -> memref<128xi32, #tpu.memory_space<vmem>>
      %dma_wait3A_181 = arith.constant 0 : i32
      %dma_wait3A_182 = arith.constant 0 : i32
      %dma_wait3A_183 = tpu.memref_slice %arg3[%dma_wait3A_181, %dma_wait3A_182] : memref<1000000x32xf32, #tpu.memory_space<hbm>> -> memref<1000000x32xf32, #tpu.memory_space<hbm>>
      tpu.wait_indirect_dma semaphore(%arg9 : memref<!tpu.dma_semaphore, #tpu.memory_space<semaphore_mem>>) src(%dma_wait3A_183 : memref<1000000x32xf32, #tpu.memory_space<hbm>>) dst(%dma_wait3A_177 : memref<128x32xf32, #tpu.memory_space<vmem>>)
      %dma_wait3A_184 = arith.constant 0 : i32
      %dma_wait3A_185 = arith.constant 0 : i32
      %dma_wait3A_186 = arith.constant 0 : i32
      %dma_wait3A_187 = arith.constant 0 : i32
      %dma_wait3A_188 = tpu.memref_slice %arg6[%dma_wait3A_185, %dma_wait3A_186, %dma_wait3A_187] : memref<2x512x32xf32, #tpu.memory_space<vmem>> -> memref<1x128x32xf32, #tpu.memory_space<vmem>>
      %dma_wait3A_189 = tpu.memref_squeeze %dma_wait3A_188 : memref<1x128x32xf32, #tpu.memory_space<vmem>> -> memref<128x32xf32, #tpu.memory_space<vmem>>
      %dma_wait3A_190 = arith.constant 0 : i32
      %dma_wait3A_191 = tpu.memref_slice %arg5[%dma_wait3A_184, %dma_wait3A_190] : memref<2x512xi32, #tpu.memory_space<vmem>> -> memref<1x128xi32, #tpu.memory_space<vmem>>
      %dma_wait3A_192 = tpu.memref_squeeze %dma_wait3A_191 : memref<1x128xi32, #tpu.memory_space<vmem>> -> memref<128xi32, #tpu.memory_space<vmem>>
      %dma_wait3A_193 = arith.constant 0 : i32
      %dma_wait3A_194 = arith.constant 0 : i32
      %dma_wait3A_195 = tpu.memref_slice %arg3[%dma_wait3A_193, %dma_wait3A_194] : memref<1000000x32xf32, #tpu.memory_space<hbm>> -> memref<1000000x32xf32, #tpu.memory_space<hbm>>
      tpu.wait_indirect_dma semaphore(%arg9 : memref<!tpu.dma_semaphore, #tpu.memory_space<semaphore_mem>>) src(%dma_wait3A_195 : memref<1000000x32xf32, #tpu.memory_space<hbm>>) dst(%dma_wait3A_189 : memref<128x32xf32, #tpu.memory_space<vmem>>)
      %dma_wait3A_196 = arith.constant 0 : i32
      %dma_wait3A_197 = arith.constant 0 : i32
      %dma_wait3A_198 = arith.constant 0 : i32
      %dma_wait3A_199 = arith.constant 0 : i32
      %dma_wait3A_200 = tpu.memref_slice %arg6[%dma_wait3A_197, %dma_wait3A_198, %dma_wait3A_199] : memref<2x512x32xf32, #tpu.memory_space<vmem>> -> memref<1x128x32xf32, #tpu.memory_space<vmem>>
      %dma_wait3A_201 = tpu.memref_squeeze %dma_wait3A_200 : memref<1x128x32xf32, #tpu.memory_space<vmem>> -> memref<128x32xf32, #tpu.memory_space<vmem>>
      %dma_wait3A_202 = arith.constant 0 : i32
      %dma_wait3A_203 = tpu.memref_slice %arg5[%dma_wait3A_196, %dma_wait3A_202] : memref<2x512xi32, #tpu.memory_space<vmem>> -> memref<1x128xi32, #tpu.memory_space<vmem>>
      %dma_wait3A_204 = tpu.memref_squeeze %dma_wait3A_203 : memref<1x128xi32, #tpu.memory_space<vmem>> -> memref<128xi32, #tpu.memory_space<vmem>>
      %dma_wait3A_205 = arith.constant 0 : i32
      %dma_wait3A_206 = arith.constant 0 : i32
      %dma_wait3A_207 = tpu.memref_slice %arg3[%dma_wait3A_205, %dma_wait3A_206] : memref<1000000x32xf32, #tpu.memory_space<hbm>> -> memref<1000000x32xf32, #tpu.memory_space<hbm>>
      tpu.wait_indirect_dma semaphore(%arg9 : memref<!tpu.dma_semaphore, #tpu.memory_space<semaphore_mem>>) src(%dma_wait3A_207 : memref<1000000x32xf32, #tpu.memory_space<hbm>>) dst(%dma_wait3A_201 : memref<128x32xf32, #tpu.memory_space<vmem>>)
      %dma_wait3A_208 = arith.constant 0 : i32
      %dma_wait3A_209 = arith.constant 0 : i32
      %dma_wait3A_210 = arith.constant 0 : i32
      %dma_wait3A_211 = arith.constant 0 : i32
      %dma_wait3A_212 = tpu.memref_slice %arg6[%dma_wait3A_209, %dma_wait3A_210, %dma_wait3A_211] : memref<2x512x32xf32, #tpu.memory_space<vmem>> -> memref<1x128x32xf32, #tpu.memory_space<vmem>>
      %dma_wait3A_213 = tpu.memref_squeeze %dma_wait3A_212 : memref<1x128x32xf32, #tpu.memory_space<vmem>> -> memref<128x32xf32, #tpu.memory_space<vmem>>
      %dma_wait3A_214 = arith.constant 0 : i32
      %dma_wait3A_215 = tpu.memref_slice %arg5[%dma_wait3A_208, %dma_wait3A_214] : memref<2x512xi32, #tpu.memory_space<vmem>> -> memref<1x128xi32, #tpu.memory_space<vmem>>
      %dma_wait3A_216 = tpu.memref_squeeze %dma_wait3A_215 : memref<1x128xi32, #tpu.memory_space<vmem>> -> memref<128xi32, #tpu.memory_space<vmem>>
      %dma_wait3A_217 = arith.constant 0 : i32
      %dma_wait3A_218 = arith.constant 0 : i32
      %dma_wait3A_219 = tpu.memref_slice %arg3[%dma_wait3A_217, %dma_wait3A_218] : memref<1000000x32xf32, #tpu.memory_space<hbm>> -> memref<1000000x32xf32, #tpu.memory_space<hbm>>
      tpu.wait_indirect_dma semaphore(%arg9 : memref<!tpu.dma_semaphore, #tpu.memory_space<semaphore_mem>>) src(%dma_wait3A_219 : memref<1000000x32xf32, #tpu.memory_space<hbm>>) dst(%dma_wait3A_213 : memref<128x32xf32, #tpu.memory_space<vmem>>)
      %mul3A_220 = arith.constant 2 : i32
      %mul3A_221 = arith.muli %mul3A_220, %scan3A_166 : i32
      %add3A_222 = arith.constant 0 : i32
      %add3A_223 = arith.addi %mul3A_221, %add3A_222 : i32
      %add3A_224 = arith.constant 1 : i32
      %add3A_225 = arith.addi %add3A_223, %add3A_224 : i32
      %lt3A_226 = arith.constant 50 : i32
      %lt3A_227 = arith.cmpi slt, %add3A_225, %lt3A_226 : i32
      %convert_element_type3A = arith.extui %lt3A_227 : i1 to i32
      %cond3A = arith.constant 0 : i32
      %cond3A_228 = arith.cmpi ne, %convert_element_type3A, %cond3A : i32
      scf.if %cond3A_228 {
        %add3A_423 = arith.constant 1 : i32
        %add3A_424 = arith.addi %add3A_171, %add3A_423 : i32
        %mul3A_425 = arith.constant 512 : i32
        %mul3A_426 = arith.muli %add3A_424, %mul3A_425 : i32
        %run_scoped3A_427 = arith.constant 1 : i32
        "tpu.region"() ({
          %run_scoped3A_476 = tpu.sem_alloc : memref<!tpu.dma_semaphore, #tpu.memory_space<semaphore_mem>>
          %dma_start3A_477 = arith.constant 0 : i32
          %dma_start3A_478 = tpu.memref_slice %arg5[%run_scoped3A_427, %dma_start3A_477] : memref<2x512xi32, #tpu.memory_space<vmem>> -> memref<1x512xi32, #tpu.memory_space<vmem>>
          %dma_start3A_479 = tpu.memref_squeeze %dma_start3A_478 : memref<1x512xi32, #tpu.memory_space<vmem>> -> memref<512xi32, #tpu.memory_space<vmem>>
          %dma_start3A_480 = tpu.memref_slice %arg2[%mul3A_426] : memref<819200xi32, #tpu.memory_space<hbm>> -> memref<512xi32, #tpu.memory_space<hbm>>
          %dma_start3A_481 = arith.constant 0 : i32
          %dma_start3A_482 = tpu.memref_slice %arg5[%run_scoped3A_427, %dma_start3A_481] : memref<2x512xi32, #tpu.memory_space<vmem>> -> memref<1x512xi32, #tpu.memory_space<vmem>>
          %dma_start3A_483 = tpu.memref_squeeze %dma_start3A_482 : memref<1x512xi32, #tpu.memory_space<vmem>> -> memref<512xi32, #tpu.memory_space<vmem>>
          %dma_start3A_484 = tpu.memref_slice %arg2[%mul3A_426] : memref<819200xi32, #tpu.memory_space<hbm>> -> memref<512xi32, #tpu.memory_space<hbm>>
          tpu.enqueue_dma source(%dma_start3A_484 : memref<512xi32, #tpu.memory_space<hbm>>) target(%dma_start3A_483 : memref<512xi32, #tpu.memory_space<vmem>>) target_semaphore(%run_scoped3A_476 : memref<!tpu.dma_semaphore, #tpu.memory_space<semaphore_mem>>)
          %dma_wait3A_485 = arith.constant 0 : i32
          %dma_wait3A_486 = tpu.memref_slice %arg5[%run_scoped3A_427, %dma_wait3A_485] : memref<2x512xi32, #tpu.memory_space<vmem>> -> memref<1x512xi32, #tpu.memory_space<vmem>>
          %dma_wait3A_487 = tpu.memref_squeeze %dma_wait3A_486 : memref<1x512xi32, #tpu.memory_space<vmem>> -> memref<512xi32, #tpu.memory_space<vmem>>
          %dma_wait3A_488 = tpu.memref_slice %arg2[%mul3A_426] : memref<819200xi32, #tpu.memory_space<hbm>> -> memref<512xi32, #tpu.memory_space<hbm>>
          %dma_wait3A_489 = arith.constant 0 : i32
          %dma_wait3A_490 = tpu.memref_slice %arg5[%run_scoped3A_427, %dma_wait3A_489] : memref<2x512xi32, #tpu.memory_space<vmem>> -> memref<1x512xi32, #tpu.memory_space<vmem>>
          %dma_wait3A_491 = tpu.memref_squeeze %dma_wait3A_490 : memref<1x512xi32, #tpu.memory_space<vmem>> -> memref<512xi32, #tpu.memory_space<vmem>>
          %dma_wait3A_492 = tpu.memref_slice %arg2[%mul3A_426] : memref<819200xi32, #tpu.memory_space<hbm>> -> memref<512xi32, #tpu.memory_space<hbm>>
          tpu.wait_dma2 semaphore(%run_scoped3A_476 : memref<!tpu.dma_semaphore, #tpu.memory_space<semaphore_mem>>) src(%dma_wait3A_492 : memref<512xi32, #tpu.memory_space<hbm>>) dst(%dma_wait3A_491 : memref<512xi32, #tpu.memory_space<vmem>>)
          tpu.yield
        }) : () -> ()
        %dma_start3A_428 = arith.constant 1 : i32
        %dma_start3A_429 = arith.constant 1 : i32
        %dma_start3A_430 = arith.constant 0 : i32
        %dma_start3A_431 = arith.constant 0 : i32
        %dma_start3A_432 = tpu.memref_slice %arg6[%dma_start3A_429, %dma_start3A_430, %dma_start3A_431] : memref<2x512x32xf32, #tpu.memory_space<vmem>> -> memref<1x128x32xf32, #tpu.memory_space<vmem>>
        %dma_start3A_433 = tpu.memref_squeeze %dma_start3A_432 : memref<1x128x32xf32, #tpu.memory_space<vmem>> -> memref<128x32xf32, #tpu.memory_space<vmem>>
        %dma_start3A_434 = arith.constant 0 : i32
        %dma_start3A_435 = tpu.memref_slice %arg5[%dma_start3A_428, %dma_start3A_434] : memref<2x512xi32, #tpu.memory_space<vmem>> -> memref<1x128xi32, #tpu.memory_space<vmem>>
        %dma_start3A_436 = tpu.memref_squeeze %dma_start3A_435 : memref<1x128xi32, #tpu.memory_space<vmem>> -> memref<128xi32, #tpu.memory_space<vmem>>
        %dma_start3A_437 = arith.constant 0 : i32
        %dma_start3A_438 = arith.constant 0 : i32
        %dma_start3A_439 = tpu.memref_slice %arg3[%dma_start3A_437, %dma_start3A_438] : memref<1000000x32xf32, #tpu.memory_space<hbm>> -> memref<1000000x32xf32, #tpu.memory_space<hbm>>
        tpu.enqueue_indirect_dma source(%dma_start3A_439 : memref<1000000x32xf32, #tpu.memory_space<hbm>>) target(%dma_start3A_433 : memref<128x32xf32, #tpu.memory_space<vmem>>) offsets(%dma_start3A_436 : memref<128xi32, #tpu.memory_space<vmem>>) semaphore(%arg10 : memref<!tpu.dma_semaphore, #tpu.memory_space<semaphore_mem>>)
        %dma_start3A_440 = arith.constant 1 : i32
        %dma_start3A_441 = arith.constant 1 : i32
        %dma_start3A_442 = arith.constant 128 : i32
        %dma_start3A_443 = arith.constant 0 : i32
        %dma_start3A_444 = tpu.memref_slice %arg6[%dma_start3A_441, %dma_start3A_442, %dma_start3A_443] : memref<2x512x32xf32, #tpu.memory_space<vmem>> -> memref<1x128x32xf32, #tpu.memory_space<vmem>>
        %dma_start3A_445 = tpu.memref_squeeze %dma_start3A_444 : memref<1x128x32xf32, #tpu.memory_space<vmem>> -> memref<128x32xf32, #tpu.memory_space<vmem>>
        %dma_start3A_446 = arith.constant 128 : i32
        %dma_start3A_447 = tpu.memref_slice %arg5[%dma_start3A_440, %dma_start3A_446] : memref<2x512xi32, #tpu.memory_space<vmem>> -> memref<1x128xi32, #tpu.memory_space<vmem>>
        %dma_start3A_448 = tpu.memref_squeeze %dma_start3A_447 : memref<1x128xi32, #tpu.memory_space<vmem>> -> memref<128xi32, #tpu.memory_space<vmem>>
        %dma_start3A_449 = arith.constant 0 : i32
        %dma_start3A_450 = arith.constant 0 : i32
        %dma_start3A_451 = tpu.memref_slice %arg3[%dma_start3A_449, %dma_start3A_450] : memref<1000000x32xf32, #tpu.memory_space<hbm>> -> memref<1000000x32xf32, #tpu.memory_space<hbm>>
        tpu.enqueue_indirect_dma source(%dma_start3A_451 : memref<1000000x32xf32, #tpu.memory_space<hbm>>) target(%dma_start3A_445 : memref<128x32xf32, #tpu.memory_space<vmem>>) offsets(%dma_start3A_448 : memref<128xi32, #tpu.memory_space<vmem>>) semaphore(%arg10 : memref<!tpu.dma_semaphore, #tpu.memory_space<semaphore_mem>>)
        %dma_start3A_452 = arith.constant 1 : i32
        %dma_start3A_453 = arith.constant 1 : i32
        %dma_start3A_454 = arith.constant 256 : i32
        %dma_start3A_455 = arith.constant 0 : i32
        %dma_start3A_456 = tpu.memref_slice %arg6[%dma_start3A_453, %dma_start3A_454, %dma_start3A_455] : memref<2x512x32xf32, #tpu.memory_space<vmem>> -> memref<1x128x32xf32, #tpu.memory_space<vmem>>
        %dma_start3A_457 = tpu.memref_squeeze %dma_start3A_456 : memref<1x128x32xf32, #tpu.memory_space<vmem>> -> memref<128x32xf32, #tpu.memory_space<vmem>>
        %dma_start3A_458 = arith.constant 256 : i32
        %dma_start3A_459 = tpu.memref_slice %arg5[%dma_start3A_452, %dma_start3A_458] : memref<2x512xi32, #tpu.memory_space<vmem>> -> memref<1x128xi32, #tpu.memory_space<vmem>>
        %dma_start3A_460 = tpu.memref_squeeze %dma_start3A_459 : memref<1x128xi32, #tpu.memory_space<vmem>> -> memref<128xi32, #tpu.memory_space<vmem>>
        %dma_start3A_461 = arith.constant 0 : i32
        %dma_start3A_462 = arith.constant 0 : i32
        %dma_start3A_463 = tpu.memref_slice %arg3[%dma_start3A_461, %dma_start3A_462] : memref<1000000x32xf32, #tpu.memory_space<hbm>> -> memref<1000000x32xf32, #tpu.memory_space<hbm>>
        tpu.enqueue_indirect_dma source(%dma_start3A_463 : memref<1000000x32xf32, #tpu.memory_space<hbm>>) target(%dma_start3A_457 : memref<128x32xf32, #tpu.memory_space<vmem>>) offsets(%dma_start3A_460 : memref<128xi32, #tpu.memory_space<vmem>>) semaphore(%arg10 : memref<!tpu.dma_semaphore, #tpu.memory_space<semaphore_mem>>)
        %dma_start3A_464 = arith.constant 1 : i32
        %dma_start3A_465 = arith.constant 1 : i32
        %dma_start3A_466 = arith.constant 384 : i32
        %dma_start3A_467 = arith.constant 0 : i32
        %dma_start3A_468 = tpu.memref_slice %arg6[%dma_start3A_465, %dma_start3A_466, %dma_start3A_467] : memref<2x512x32xf32, #tpu.memory_space<vmem>> -> memref<1x128x32xf32, #tpu.memory_space<vmem>>
        %dma_start3A_469 = tpu.memref_squeeze %dma_start3A_468 : memref<1x128x32xf32, #tpu.memory_space<vmem>> -> memref<128x32xf32, #tpu.memory_space<vmem>>
        %dma_start3A_470 = arith.constant 384 : i32
        %dma_start3A_471 = tpu.memref_slice %arg5[%dma_start3A_464, %dma_start3A_470] : memref<2x512xi32, #tpu.memory_space<vmem>> -> memref<1x128xi32, #tpu.memory_space<vmem>>
        %dma_start3A_472 = tpu.memref_squeeze %dma_start3A_471 : memref<1x128xi32, #tpu.memory_space<vmem>> -> memref<128xi32, #tpu.memory_space<vmem>>
        %dma_start3A_473 = arith.constant 0 : i32
        %dma_start3A_474 = arith.constant 0 : i32
        %dma_start3A_475 = tpu.memref_slice %arg3[%dma_start3A_473, %dma_start3A_474] : memref<1000000x32xf32, #tpu.memory_space<hbm>> -> memref<1000000x32xf32, #tpu.memory_space<hbm>>
        tpu.enqueue_indirect_dma source(%dma_start3A_475 : memref<1000000x32xf32, #tpu.memory_space<hbm>>) target(%dma_start3A_469 : memref<128x32xf32, #tpu.memory_space<vmem>>) offsets(%dma_start3A_472 : memref<128xi32, #tpu.memory_space<vmem>>) semaphore(%arg10 : memref<!tpu.dma_semaphore, #tpu.memory_space<semaphore_mem>>)
      } else {
      }
      %mul3A_229 = arith.constant 2 : i32
      %mul3A_230 = arith.muli %mul3A_229, %scan3A_166 : i32
      %add3A_231 = arith.constant 0 : i32
      %add3A_232 = arith.addi %mul3A_230, %add3A_231 : i32
      %ge3A = arith.constant 2 : i32
      %ge3A_233 = arith.cmpi sge, %add3A_232, %ge3A : i32
      %convert_element_type3A_234 = arith.extui %ge3A_233 : i1 to i32
      %cond3A_235 = arith.constant 0 : i32
      %cond3A_236 = arith.cmpi ne, %convert_element_type3A_234, %cond3A_235 : i32
      scf.if %cond3A_236 {
        %jit3A_423 = arith.constant 8 : i32
        %div3A_424 = arith.divsi %add3A_171, %jit3A_423 : i32
        %sign3A_425 = arith.constant 0 : i32
        %sign3A_426 = arith.cmpi sgt, %add3A_171, %sign3A_425 : i32
        %sign3A_427 = arith.extui %sign3A_426 : i1 to i32
        %sign3A_428 = arith.constant 0 : i32
        %sign3A_429 = arith.cmpi slt, %add3A_171, %sign3A_428 : i32
        %sign3A_430 = arith.extui %sign3A_429 : i1 to i32
        %sign3A_431 = arith.subi %sign3A_427, %sign3A_430 : i32
        %sign3A_432 = arith.constant 0 : i32
        %sign3A_433 = arith.cmpi sgt, %jit3A_423, %sign3A_432 : i32
        %sign3A_434 = arith.extui %sign3A_433 : i1 to i32
        %sign3A_435 = arith.constant 0 : i32
        %sign3A_436 = arith.cmpi slt, %jit3A_423, %sign3A_435 : i32
        %sign3A_437 = arith.extui %sign3A_436 : i1 to i32
        %sign3A_438 = arith.subi %sign3A_434, %sign3A_437 : i32
        %ne3A_439 = arith.cmpi ne, %sign3A_431, %sign3A_438 : i32
        %rem3A_440 = arith.remsi %add3A_171, %jit3A_423 : i32
        %ne3A_441 = arith.constant 0 : i32
        %ne3A_442 = arith.cmpi ne, %rem3A_440, %ne3A_441 : i32
        %and3A_443 = arith.andi %ne3A_439, %ne3A_442 : i1
        %sub3A_444 = arith.constant 1 : i32
        %sub3A_445 = arith.subi %div3A_424, %sub3A_444 : i32
        %select_n3A_446 = arith.select %and3A_443, %sub3A_445, %div3A_424 : i32
        %jit3A_447 = arith.constant 8 : i32
        %eq3A_448 = arith.constant 0 : i32
        %eq3A_449 = arith.cmpi eq, %jit3A_447, %eq3A_448 : i32
        %jit3A_450 = arith.constant 1 : i32
        %select_n3A_451 = arith.select %eq3A_449, %jit3A_450, %jit3A_447 : i32
        %rem3A_452 = arith.remsi %add3A_171, %select_n3A_451 : i32
        %ne3A_453 = arith.constant 0 : i32
        %ne3A_454 = arith.cmpi ne, %rem3A_452, %ne3A_453 : i32
        %lt3A_455 = arith.constant 0 : i32
        %lt3A_456 = arith.cmpi slt, %rem3A_452, %lt3A_455 : i32
        %lt3A_457 = arith.constant 0 : i32
        %lt3A_458 = arith.cmpi slt, %select_n3A_451, %lt3A_457 : i32
        %ne3A_459 = arith.xori %lt3A_456, %lt3A_458 : i1
        %and3A_460 = arith.andi %ne3A_459, %ne3A_454 : i1
        %add3A_461 = arith.addi %rem3A_452, %select_n3A_451 : i32
        %select_n3A_462 = arith.select %and3A_460, %add3A_461, %rem3A_452 : i32
        %mul3A_463 = arith.constant 512 : i32
        %mul3A_464 = arith.muli %select_n3A_462, %mul3A_463 : i32
        %dma_wait3A_465 = arith.constant 0 : i32
        %dma_wait3A_466 = arith.constant 0 : i32
        %dma_wait3A_467 = tpu.memref_slice %arg7[%dma_wait3A_465, %dma_wait3A_466] : memref<32x513xf32, #tpu.memory_space<vmem>> -> memref<32x512xf32, #tpu.memory_space<vmem>>
        %dma_wait3A_468 = arith.constant 0 : i32
        %dma_wait3A_469 = tpu.memref_slice %arg4[%select_n3A_446, %dma_wait3A_468, %mul3A_464] : memref<200x32x4096xf32, #tpu.memory_space<hbm>> -> memref<1x32x512xf32, #tpu.memory_space<hbm>>
        %dma_wait3A_470 = tpu.memref_squeeze %dma_wait3A_469 : memref<1x32x512xf32, #tpu.memory_space<hbm>> -> memref<32x512xf32, #tpu.memory_space<hbm>>
        %dma_wait3A_471 = arith.constant 0 : i32
        %dma_wait3A_472 = tpu.memref_slice %arg4[%select_n3A_446, %dma_wait3A_471, %mul3A_464] : memref<200x32x4096xf32, #tpu.memory_space<hbm>> -> memref<1x32x512xf32, #tpu.memory_space<hbm>>
        %dma_wait3A_473 = tpu.memref_squeeze %dma_wait3A_472 : memref<1x32x512xf32, #tpu.memory_space<hbm>> -> memref<32x512xf32, #tpu.memory_space<hbm>>
        %dma_wait3A_474 = arith.constant 0 : i32
        %dma_wait3A_475 = arith.constant 0 : i32
        %dma_wait3A_476 = tpu.memref_slice %arg7[%dma_wait3A_474, %dma_wait3A_475] : memref<32x513xf32, #tpu.memory_space<vmem>> -> memref<32x512xf32, #tpu.memory_space<vmem>>
        tpu.wait_dma2 semaphore(%arg11 : memref<!tpu.dma_semaphore, #tpu.memory_space<semaphore_mem>>) src(%dma_wait3A_476 : memref<32x512xf32, #tpu.memory_space<vmem>>) dst(%dma_wait3A_473 : memref<32x512xf32, #tpu.memory_space<hbm>>)
      } else {
      }
      %parallel_loop3A = arith.constant 0 : i32
      %parallel_loop3A_237 = arith.constant 512 : i32
      %parallel_loop3A_238 = arith.constant 1 : i32
      scf.for %parallel_loop3A_423 = %parallel_loop3A to %parallel_loop3A_237 step %parallel_loop3A_238  : i32 {
        %parallel_loop3A_424 = vector.broadcast %parallel_loop3A_423 : i32 to vector<16xi32>
        %parallel_loop3A_425 = arith.constant 0 : i32
        %parallel_loop3A_426 = arith.index_cast %parallel_loop3A_425 : i32 to index
        %parallel_loop3A_427 = arith.index_cast %parallel_loop3A_423 : i32 to index
        %parallel_loop3A_428 = arith.constant 0 : index
        %parallel_loop3A_429 = tpu.vector_load %arg6[%parallel_loop3A_426, %parallel_loop3A_427, %parallel_loop3A_428] {strides = array<i32>} : memref<2x512x32xf32, #tpu.memory_space<vmem>>, vector<16xf32>,
        %parallel_loop3A_430 = arith.constant 0 : i32
        %parallel_loop3A_431 = arith.index_cast %parallel_loop3A_430 : i32 to index
        %parallel_loop3A_432 = arith.index_cast %parallel_loop3A_423 : i32 to index
        %parallel_loop3A_433 = arith.constant 16 : index
        %parallel_loop3A_434 = tpu.vector_load %arg6[%parallel_loop3A_431, %parallel_loop3A_432, %parallel_loop3A_433] {strides = array<i32>} : memref<2x512x32xf32, #tpu.memory_space<vmem>>, vector<16xf32>,
        tpu.vector_store_idx %arg7[%iota3A, %parallel_loop3A_424], %parallel_loop3A_429 : memref<32x513xf32, #tpu.memory_space<vmem>>[vector<16xi32>, vector<16xi32>], vector<16xf32>,
        %parallel_loop3A_435 = arith.constant 16 : i32
        %parallel_loop3A_436 = vector.broadcast %parallel_loop3A_435 : i32 to vector<16xi32>
        %parallel_loop3A_437 = arith.addi %iota3A, %parallel_loop3A_436 : vector<16xi32>
        tpu.vector_store_idx %arg7[%parallel_loop3A_437, %parallel_loop3A_424], %parallel_loop3A_434 : memref<32x513xf32, #tpu.memory_space<vmem>>[vector<16xi32>, vector<16xi32>], vector<16xf32>,
      } {sc.loop_unroll_factor = 8 : i64, sc.parallel_access}
      %jit3A_239 = arith.constant 8 : i32
      %div3A_240 = arith.divsi %add3A_171, %jit3A_239 : i32
      %sign3A_241 = arith.constant 0 : i32
      %sign3A_242 = arith.cmpi sgt, %add3A_171, %sign3A_241 : i32
      %sign3A_243 = arith.extui %sign3A_242 : i1 to i32
      %sign3A_244 = arith.constant 0 : i32
      %sign3A_245 = arith.cmpi slt, %add3A_171, %sign3A_244 : i32
      %sign3A_246 = arith.extui %sign3A_245 : i1 to i32
      %sign3A_247 = arith.subi %sign3A_243, %sign3A_246 : i32
      %sign3A_248 = arith.constant 0 : i32
      %sign3A_249 = arith.cmpi sgt, %jit3A_239, %sign3A_248 : i32
      %sign3A_250 = arith.extui %sign3A_249 : i1 to i32
      %sign3A_251 = arith.constant 0 : i32
      %sign3A_252 = arith.cmpi slt, %jit3A_239, %sign3A_251 : i32
      %sign3A_253 = arith.extui %sign3A_252 : i1 to i32
      %sign3A_254 = arith.subi %sign3A_250, %sign3A_253 : i32
      %ne3A_255 = arith.cmpi ne, %sign3A_247, %sign3A_254 : i32
      %rem3A_256 = arith.remsi %add3A_171, %jit3A_239 : i32
      %ne3A_257 = arith.constant 0 : i32
      %ne3A_258 = arith.cmpi ne, %rem3A_256, %ne3A_257 : i32
      %and3A_259 = arith.andi %ne3A_255, %ne3A_258 : i1
      %sub3A_260 = arith.constant 1 : i32
      %sub3A_261 = arith.subi %div3A_240, %sub3A_260 : i32
      %select_n3A_262 = arith.select %and3A_259, %sub3A_261, %div3A_240 : i32
      %jit3A_263 = arith.constant 8 : i32
      %eq3A_264 = arith.constant 0 : i32
      %eq3A_265 = arith.cmpi eq, %jit3A_263, %eq3A_264 : i32
      %jit3A_266 = arith.constant 1 : i32
      %select_n3A_267 = arith.select %eq3A_265, %jit3A_266, %jit3A_263 : i32
      %rem3A_268 = arith.remsi %add3A_171, %select_n3A_267 : i32
      %ne3A_269 = arith.constant 0 : i32
      %ne3A_270 = arith.cmpi ne, %rem3A_268, %ne3A_269 : i32
      %lt3A_271 = arith.constant 0 : i32
      %lt3A_272 = arith.cmpi slt, %rem3A_268, %lt3A_271 : i32
      %lt3A_273 = arith.constant 0 : i32
      %lt3A_274 = arith.cmpi slt, %select_n3A_267, %lt3A_273 : i32
      %ne3A_275 = arith.xori %lt3A_272, %lt3A_274 : i1
      %and3A_276 = arith.andi %ne3A_275, %ne3A_270 : i1
      %add3A_277 = arith.addi %rem3A_268, %select_n3A_267 : i32
      %select_n3A_278 = arith.select %and3A_276, %add3A_277, %rem3A_268 : i32
      %mul3A_279 = arith.constant 512 : i32
      %mul3A_280 = arith.muli %select_n3A_278, %mul3A_279 : i32
      %dma_start3A_281 = arith.constant 0 : i32
      %dma_start3A_282 = arith.constant 0 : i32
      %dma_start3A_283 = tpu.memref_slice %arg7[%dma_start3A_281, %dma_start3A_282] : memref<32x513xf32, #tpu.memory_space<vmem>> -> memref<32x512xf32, #tpu.memory_space<vmem>>
      %dma_start3A_284 = arith.constant 0 : i32
      %dma_start3A_285 = tpu.memref_slice %arg4[%select_n3A_262, %dma_start3A_284, %mul3A_280] : memref<200x32x4096xf32, #tpu.memory_space<hbm>> -> memref<1x32x512xf32, #tpu.memory_space<hbm>>
      %dma_start3A_286 = tpu.memref_squeeze %dma_start3A_285 : memref<1x32x512xf32, #tpu.memory_space<hbm>> -> memref<32x512xf32, #tpu.memory_space<hbm>>
      %dma_start3A_287 = arith.constant 0 : i32
      %dma_start3A_288 = tpu.memref_slice %arg4[%select_n3A_262, %dma_start3A_287, %mul3A_280] : memref<200x32x4096xf32, #tpu.memory_space<hbm>> -> memref<1x32x512xf32, #tpu.memory_space<hbm>>
      %dma_start3A_289 = tpu.memref_squeeze %dma_start3A_288 : memref<1x32x512xf32, #tpu.memory_space<hbm>> -> memref<32x512xf32, #tpu.memory_space<hbm>>
      %dma_start3A_290 = arith.constant 0 : i32
      %dma_start3A_291 = arith.constant 0 : i32
      %dma_start3A_292 = tpu.memref_slice %arg7[%dma_start3A_290, %dma_start3A_291] : memref<32x513xf32, #tpu.memory_space<vmem>> -> memref<32x512xf32, #tpu.memory_space<vmem>>
      tpu.enqueue_dma source(%dma_start3A_292 : memref<32x512xf32, #tpu.memory_space<vmem>>) target(%dma_start3A_289 : memref<32x512xf32, #tpu.memory_space<hbm>>) target_semaphore(%arg11 : memref<!tpu.dma_semaphore, #tpu.memory_space<semaphore_mem>>)
      %mul3A_293 = arith.constant 2 : i32
      %mul3A_294 = arith.muli %mul3A_293, %scan3A_166 : i32
      %add3A_295 = arith.addi %mul3A_2, %mul3A_294 : i32
      %add3A_296 = arith.constant 1 : i32
      %add3A_297 = arith.addi %add3A_295, %add3A_296 : i32
      %dma_wait3A_298 = arith.constant 1 : i32
      %dma_wait3A_299 = arith.constant 1 : i32
      %dma_wait3A_300 = arith.constant 0 : i32
      %dma_wait3A_301 = arith.constant 0 : i32
      %dma_wait3A_302 = tpu.memref_slice %arg6[%dma_wait3A_299, %dma_wait3A_300, %dma_wait3A_301] : memref<2x512x32xf32, #tpu.memory_space<vmem>> -> memref<1x128x32xf32, #tpu.memory_space<vmem>>
      %dma_wait3A_303 = tpu.memref_squeeze %dma_wait3A_302 : memref<1x128x32xf32, #tpu.memory_space<vmem>> -> memref<128x32xf32, #tpu.memory_space<vmem>>
      %dma_wait3A_304 = arith.constant 0 : i32
      %dma_wait3A_305 = tpu.memref_slice %arg5[%dma_wait3A_298, %dma_wait3A_304] : memref<2x512xi32, #tpu.memory_space<vmem>> -> memref<1x128xi32, #tpu.memory_space<vmem>>
      %dma_wait3A_306 = tpu.memref_squeeze %dma_wait3A_305 : memref<1x128xi32, #tpu.memory_space<vmem>> -> memref<128xi32, #tpu.memory_space<vmem>>
      %dma_wait3A_307 = arith.constant 0 : i32
      %dma_wait3A_308 = arith.constant 0 : i32
      %dma_wait3A_309 = tpu.memref_slice %arg3[%dma_wait3A_307, %dma_wait3A_308] : memref<1000000x32xf32, #tpu.memory_space<hbm>> -> memref<1000000x32xf32, #tpu.memory_space<hbm>>
      tpu.wait_indirect_dma semaphore(%arg10 : memref<!tpu.dma_semaphore, #tpu.memory_space<semaphore_mem>>) src(%dma_wait3A_309 : memref<1000000x32xf32, #tpu.memory_space<hbm>>) dst(%dma_wait3A_303 : memref<128x32xf32, #tpu.memory_space<vmem>>)
      %dma_wait3A_310 = arith.constant 1 : i32
      %dma_wait3A_311 = arith.constant 1 : i32
      %dma_wait3A_312 = arith.constant 0 : i32
      %dma_wait3A_313 = arith.constant 0 : i32
      %dma_wait3A_314 = tpu.memref_slice %arg6[%dma_wait3A_311, %dma_wait3A_312, %dma_wait3A_313] : memref<2x512x32xf32, #tpu.memory_space<vmem>> -> memref<1x128x32xf32, #tpu.memory_space<vmem>>
      %dma_wait3A_315 = tpu.memref_squeeze %dma_wait3A_314 : memref<1x128x32xf32, #tpu.memory_space<vmem>> -> memref<128x32xf32, #tpu.memory_space<vmem>>
      %dma_wait3A_316 = arith.constant 0 : i32
      %dma_wait3A_317 = tpu.memref_slice %arg5[%dma_wait3A_310, %dma_wait3A_316] : memref<2x512xi32, #tpu.memory_space<vmem>> -> memref<1x128xi32, #tpu.memory_space<vmem>>
      %dma_wait3A_318 = tpu.memref_squeeze %dma_wait3A_317 : memref<1x128xi32, #tpu.memory_space<vmem>> -> memref<128xi32, #tpu.memory_space<vmem>>
      %dma_wait3A_319 = arith.constant 0 : i32
      %dma_wait3A_320 = arith.constant 0 : i32
      %dma_wait3A_321 = tpu.memref_slice %arg3[%dma_wait3A_319, %dma_wait3A_320] : memref<1000000x32xf32, #tpu.memory_space<hbm>> -> memref<1000000x32xf32, #tpu.memory_space<hbm>>
      tpu.wait_indirect_dma semaphore(%arg10 : memref<!tpu.dma_semaphore, #tpu.memory_space<semaphore_mem>>) src(%dma_wait3A_321 : memref<1000000x32xf32, #tpu.memory_space<hbm>>) dst(%dma_wait3A_315 : memref<128x32xf32, #tpu.memory_space<vmem>>)
      %dma_wait3A_322 = arith.constant 1 : i32
      %dma_wait3A_323 = arith.constant 1 : i32
      %dma_wait3A_324 = arith.constant 0 : i32
      %dma_wait3A_325 = arith.constant 0 : i32
      %dma_wait3A_326 = tpu.memref_slice %arg6[%dma_wait3A_323, %dma_wait3A_324, %dma_wait3A_325] : memref<2x512x32xf32, #tpu.memory_space<vmem>> -> memref<1x128x32xf32, #tpu.memory_space<vmem>>
      %dma_wait3A_327 = tpu.memref_squeeze %dma_wait3A_326 : memref<1x128x32xf32, #tpu.memory_space<vmem>> -> memref<128x32xf32, #tpu.memory_space<vmem>>
      %dma_wait3A_328 = arith.constant 0 : i32
      %dma_wait3A_329 = tpu.memref_slice %arg5[%dma_wait3A_322, %dma_wait3A_328] : memref<2x512xi32, #tpu.memory_space<vmem>> -> memref<1x128xi32, #tpu.memory_space<vmem>>
      %dma_wait3A_330 = tpu.memref_squeeze %dma_wait3A_329 : memref<1x128xi32, #tpu.memory_space<vmem>> -> memref<128xi32, #tpu.memory_space<vmem>>
      %dma_wait3A_331 = arith.constant 0 : i32
      %dma_wait3A_332 = arith.constant 0 : i32
      %dma_wait3A_333 = tpu.memref_slice %arg3[%dma_wait3A_331, %dma_wait3A_332] : memref<1000000x32xf32, #tpu.memory_space<hbm>> -> memref<1000000x32xf32, #tpu.memory_space<hbm>>
      tpu.wait_indirect_dma semaphore(%arg10 : memref<!tpu.dma_semaphore, #tpu.memory_space<semaphore_mem>>) src(%dma_wait3A_333 : memref<1000000x32xf32, #tpu.memory_space<hbm>>) dst(%dma_wait3A_327 : memref<128x32xf32, #tpu.memory_space<vmem>>)
      %dma_wait3A_334 = arith.constant 1 : i32
      %dma_wait3A_335 = arith.constant 1 : i32
      %dma_wait3A_336 = arith.constant 0 : i32
      %dma_wait3A_337 = arith.constant 0 : i32
      %dma_wait3A_338 = tpu.memref_slice %arg6[%dma_wait3A_335, %dma_wait3A_336, %dma_wait3A_337] : memref<2x512x32xf32, #tpu.memory_space<vmem>> -> memref<1x128x32xf32, #tpu.memory_space<vmem>>
      %dma_wait3A_339 = tpu.memref_squeeze %dma_wait3A_338 : memref<1x128x32xf32, #tpu.memory_space<vmem>> -> memref<128x32xf32, #tpu.memory_space<vmem>>
      %dma_wait3A_340 = arith.constant 0 : i32
      %dma_wait3A_341 = tpu.memref_slice %arg5[%dma_wait3A_334, %dma_wait3A_340] : memref<2x512xi32, #tpu.memory_space<vmem>> -> memref<1x128xi32, #tpu.memory_space<vmem>>
      %dma_wait3A_342 = tpu.memref_squeeze %dma_wait3A_341 : memref<1x128xi32, #tpu.memory_space<vmem>> -> memref<128xi32, #tpu.memory_space<vmem>>
      %dma_wait3A_343 = arith.constant 0 : i32
      %dma_wait3A_344 = arith.constant 0 : i32
      %dma_wait3A_345 = tpu.memref_slice %arg3[%dma_wait3A_343, %dma_wait3A_344] : memref<1000000x32xf32, #tpu.memory_space<hbm>> -> memref<1000000x32xf32, #tpu.memory_space<hbm>>
      tpu.wait_indirect_dma semaphore(%arg10 : memref<!tpu.dma_semaphore, #tpu.memory_space<semaphore_mem>>) src(%dma_wait3A_345 : memref<1000000x32xf32, #tpu.memory_space<hbm>>) dst(%dma_wait3A_339 : memref<128x32xf32, #tpu.memory_space<vmem>>)
      %mul3A_346 = arith.constant 2 : i32
      %mul3A_347 = arith.muli %mul3A_346, %scan3A_166 : i32
      %add3A_348 = arith.constant 1 : i32
      %add3A_349 = arith.addi %mul3A_347, %add3A_348 : i32
      %add3A_350 = arith.constant 1 : i32
      %add3A_351 = arith.addi %add3A_349, %add3A_350 : i32
      %lt3A_352 = arith.constant 50 : i32
      %lt3A_353 = arith.cmpi slt, %add3A_351, %lt3A_352 : i32
      %convert_element_type3A_354 = arith.extui %lt3A_353 : i1 to i32
      %cond3A_355 = arith.constant 0 : i32
      %cond3A_356 = arith.cmpi ne, %convert_element_type3A_354, %cond3A_355 : i32
      scf.if %cond3A_356 {
        %add3A_423 = arith.constant 1 : i32
        %add3A_424 = arith.addi %add3A_297, %add3A_423 : i32
        %mul3A_425 = arith.constant 512 : i32
        %mul3A_426 = arith.muli %add3A_424, %mul3A_425 : i32
        %run_scoped3A_427 = arith.constant 0 : i32
        "tpu.region"() ({
          %run_scoped3A_476 = tpu.sem_alloc : memref<!tpu.dma_semaphore, #tpu.memory_space<semaphore_mem>>
          %dma_start3A_477 = arith.constant 0 : i32
          %dma_start3A_478 = tpu.memref_slice %arg5[%run_scoped3A_427, %dma_start3A_477] : memref<2x512xi32, #tpu.memory_space<vmem>> -> memref<1x512xi32, #tpu.memory_space<vmem>>
          %dma_start3A_479 = tpu.memref_squeeze %dma_start3A_478 : memref<1x512xi32, #tpu.memory_space<vmem>> -> memref<512xi32, #tpu.memory_space<vmem>>
          %dma_start3A_480 = tpu.memref_slice %arg2[%mul3A_426] : memref<819200xi32, #tpu.memory_space<hbm>> -> memref<512xi32, #tpu.memory_space<hbm>>
          %dma_start3A_481 = arith.constant 0 : i32
          %dma_start3A_482 = tpu.memref_slice %arg5[%run_scoped3A_427, %dma_start3A_481] : memref<2x512xi32, #tpu.memory_space<vmem>> -> memref<1x512xi32, #tpu.memory_space<vmem>>
          %dma_start3A_483 = tpu.memref_squeeze %dma_start3A_482 : memref<1x512xi32, #tpu.memory_space<vmem>> -> memref<512xi32, #tpu.memory_space<vmem>>
          %dma_start3A_484 = tpu.memref_slice %arg2[%mul3A_426] : memref<819200xi32, #tpu.memory_space<hbm>> -> memref<512xi32, #tpu.memory_space<hbm>>
          tpu.enqueue_dma source(%dma_start3A_484 : memref<512xi32, #tpu.memory_space<hbm>>) target(%dma_start3A_483 : memref<512xi32, #tpu.memory_space<vmem>>) target_semaphore(%run_scoped3A_476 : memref<!tpu.dma_semaphore, #tpu.memory_space<semaphore_mem>>)
          %dma_wait3A_485 = arith.constant 0 : i32
          %dma_wait3A_486 = tpu.memref_slice %arg5[%run_scoped3A_427, %dma_wait3A_485] : memref<2x512xi32, #tpu.memory_space<vmem>> -> memref<1x512xi32, #tpu.memory_space<vmem>>
          %dma_wait3A_487 = tpu.memref_squeeze %dma_wait3A_486 : memref<1x512xi32, #tpu.memory_space<vmem>> -> memref<512xi32, #tpu.memory_space<vmem>>
          %dma_wait3A_488 = tpu.memref_slice %arg2[%mul3A_426] : memref<819200xi32, #tpu.memory_space<hbm>> -> memref<512xi32, #tpu.memory_space<hbm>>
          %dma_wait3A_489 = arith.constant 0 : i32
          %dma_wait3A_490 = tpu.memref_slice %arg5[%run_scoped3A_427, %dma_wait3A_489] : memref<2x512xi32, #tpu.memory_space<vmem>> -> memref<1x512xi32, #tpu.memory_space<vmem>>
          %dma_wait3A_491 = tpu.memref_squeeze %dma_wait3A_490 : memref<1x512xi32, #tpu.memory_space<vmem>> -> memref<512xi32, #tpu.memory_space<vmem>>
          %dma_wait3A_492 = tpu.memref_slice %arg2[%mul3A_426] : memref<819200xi32, #tpu.memory_space<hbm>> -> memref<512xi32, #tpu.memory_space<hbm>>
          tpu.wait_dma2 semaphore(%run_scoped3A_476 : memref<!tpu.dma_semaphore, #tpu.memory_space<semaphore_mem>>) src(%dma_wait3A_492 : memref<512xi32, #tpu.memory_space<hbm>>) dst(%dma_wait3A_491 : memref<512xi32, #tpu.memory_space<vmem>>)
          tpu.yield
        }) : () -> ()
        %dma_start3A_428 = arith.constant 0 : i32
        %dma_start3A_429 = arith.constant 0 : i32
        %dma_start3A_430 = arith.constant 0 : i32
        %dma_start3A_431 = arith.constant 0 : i32
        %dma_start3A_432 = tpu.memref_slice %arg6[%dma_start3A_429, %dma_start3A_430, %dma_start3A_431] : memref<2x512x32xf32, #tpu.memory_space<vmem>> -> memref<1x128x32xf32, #tpu.memory_space<vmem>>
        %dma_start3A_433 = tpu.memref_squeeze %dma_start3A_432 : memref<1x128x32xf32, #tpu.memory_space<vmem>> -> memref<128x32xf32, #tpu.memory_space<vmem>>
        %dma_start3A_434 = arith.constant 0 : i32
        %dma_start3A_435 = tpu.memref_slice %arg5[%dma_start3A_428, %dma_start3A_434] : memref<2x512xi32, #tpu.memory_space<vmem>> -> memref<1x128xi32, #tpu.memory_space<vmem>>
        %dma_start3A_436 = tpu.memref_squeeze %dma_start3A_435 : memref<1x128xi32, #tpu.memory_space<vmem>> -> memref<128xi32, #tpu.memory_space<vmem>>
        %dma_start3A_437 = arith.constant 0 : i32
        %dma_start3A_438 = arith.constant 0 : i32
        %dma_start3A_439 = tpu.memref_slice %arg3[%dma_start3A_437, %dma_start3A_438] : memref<1000000x32xf32, #tpu.memory_space<hbm>> -> memref<1000000x32xf32, #tpu.memory_space<hbm>>
        tpu.enqueue_indirect_dma source(%dma_start3A_439 : memref<1000000x32xf32, #tpu.memory_space<hbm>>) target(%dma_start3A_433 : memref<128x32xf32, #tpu.memory_space<vmem>>) offsets(%dma_start3A_436 : memref<128xi32, #tpu.memory_space<vmem>>) semaphore(%arg9 : memref<!tpu.dma_semaphore, #tpu.memory_space<semaphore_mem>>)
        %dma_start3A_440 = arith.constant 0 : i32
        %dma_start3A_441 = arith.constant 0 : i32
        %dma_start3A_442 = arith.constant 128 : i32
        %dma_start3A_443 = arith.constant 0 : i32
        %dma_start3A_444 = tpu.memref_slice %arg6[%dma_start3A_441, %dma_start3A_442, %dma_start3A_443] : memref<2x512x32xf32, #tpu.memory_space<vmem>> -> memref<1x128x32xf32, #tpu.memory_space<vmem>>
        %dma_start3A_445 = tpu.memref_squeeze %dma_start3A_444 : memref<1x128x32xf32, #tpu.memory_space<vmem>> -> memref<128x32xf32, #tpu.memory_space<vmem>>
        %dma_start3A_446 = arith.constant 128 : i32
        %dma_start3A_447 = tpu.memref_slice %arg5[%dma_start3A_440, %dma_start3A_446] : memref<2x512xi32, #tpu.memory_space<vmem>> -> memref<1x128xi32, #tpu.memory_space<vmem>>
        %dma_start3A_448 = tpu.memref_squeeze %dma_start3A_447 : memref<1x128xi32, #tpu.memory_space<vmem>> -> memref<128xi32, #tpu.memory_space<vmem>>
        %dma_start3A_449 = arith.constant 0 : i32
        %dma_start3A_450 = arith.constant 0 : i32
        %dma_start3A_451 = tpu.memref_slice %arg3[%dma_start3A_449, %dma_start3A_450] : memref<1000000x32xf32, #tpu.memory_space<hbm>> -> memref<1000000x32xf32, #tpu.memory_space<hbm>>
        tpu.enqueue_indirect_dma source(%dma_start3A_451 : memref<1000000x32xf32, #tpu.memory_space<hbm>>) target(%dma_start3A_445 : memref<128x32xf32, #tpu.memory_space<vmem>>) offsets(%dma_start3A_448 : memref<128xi32, #tpu.memory_space<vmem>>) semaphore(%arg9 : memref<!tpu.dma_semaphore, #tpu.memory_space<semaphore_mem>>)
        %dma_start3A_452 = arith.constant 0 : i32
        %dma_start3A_453 = arith.constant 0 : i32
        %dma_start3A_454 = arith.constant 256 : i32
        %dma_start3A_455 = arith.constant 0 : i32
        %dma_start3A_456 = tpu.memref_slice %arg6[%dma_start3A_453, %dma_start3A_454, %dma_start3A_455] : memref<2x512x32xf32, #tpu.memory_space<vmem>> -> memref<1x128x32xf32, #tpu.memory_space<vmem>>
        %dma_start3A_457 = tpu.memref_squeeze %dma_start3A_456 : memref<1x128x32xf32, #tpu.memory_space<vmem>> -> memref<128x32xf32, #tpu.memory_space<vmem>>
        %dma_start3A_458 = arith.constant 256 : i32
        %dma_start3A_459 = tpu.memref_slice %arg5[%dma_start3A_452, %dma_start3A_458] : memref<2x512xi32, #tpu.memory_space<vmem>> -> memref<1x128xi32, #tpu.memory_space<vmem>>
        %dma_start3A_460 = tpu.memref_squeeze %dma_start3A_459 : memref<1x128xi32, #tpu.memory_space<vmem>> -> memref<128xi32, #tpu.memory_space<vmem>>
        %dma_start3A_461 = arith.constant 0 : i32
        %dma_start3A_462 = arith.constant 0 : i32
        %dma_start3A_463 = tpu.memref_slice %arg3[%dma_start3A_461, %dma_start3A_462] : memref<1000000x32xf32, #tpu.memory_space<hbm>> -> memref<1000000x32xf32, #tpu.memory_space<hbm>>
        tpu.enqueue_indirect_dma source(%dma_start3A_463 : memref<1000000x32xf32, #tpu.memory_space<hbm>>) target(%dma_start3A_457 : memref<128x32xf32, #tpu.memory_space<vmem>>) offsets(%dma_start3A_460 : memref<128xi32, #tpu.memory_space<vmem>>) semaphore(%arg9 : memref<!tpu.dma_semaphore, #tpu.memory_space<semaphore_mem>>)
        %dma_start3A_464 = arith.constant 0 : i32
        %dma_start3A_465 = arith.constant 0 : i32
        %dma_start3A_466 = arith.constant 384 : i32
        %dma_start3A_467 = arith.constant 0 : i32
        %dma_start3A_468 = tpu.memref_slice %arg6[%dma_start3A_465, %dma_start3A_466, %dma_start3A_467] : memref<2x512x32xf32, #tpu.memory_space<vmem>> -> memref<1x128x32xf32, #tpu.memory_space<vmem>>
        %dma_start3A_469 = tpu.memref_squeeze %dma_start3A_468 : memref<1x128x32xf32, #tpu.memory_space<vmem>> -> memref<128x32xf32, #tpu.memory_space<vmem>>
        %dma_start3A_470 = arith.constant 384 : i32
        %dma_start3A_471 = tpu.memref_slice %arg5[%dma_start3A_464, %dma_start3A_470] : memref<2x512xi32, #tpu.memory_space<vmem>> -> memref<1x128xi32, #tpu.memory_space<vmem>>
        %dma_start3A_472 = tpu.memref_squeeze %dma_start3A_471 : memref<1x128xi32, #tpu.memory_space<vmem>> -> memref<128xi32, #tpu.memory_space<vmem>>
        %dma_start3A_473 = arith.constant 0 : i32
        %dma_start3A_474 = arith.constant 0 : i32
        %dma_start3A_475 = tpu.memref_slice %arg3[%dma_start3A_473, %dma_start3A_474] : memref<1000000x32xf32, #tpu.memory_space<hbm>> -> memref<1000000x32xf32, #tpu.memory_space<hbm>>
        tpu.enqueue_indirect_dma source(%dma_start3A_475 : memref<1000000x32xf32, #tpu.memory_space<hbm>>) target(%dma_start3A_469 : memref<128x32xf32, #tpu.memory_space<vmem>>) offsets(%dma_start3A_472 : memref<128xi32, #tpu.memory_space<vmem>>) semaphore(%arg9 : memref<!tpu.dma_semaphore, #tpu.memory_space<semaphore_mem>>)
      } else {
      }
      %mul3A_357 = arith.constant 2 : i32
      %mul3A_358 = arith.muli %mul3A_357, %scan3A_166 : i32
      %add3A_359 = arith.constant 1 : i32
      %add3A_360 = arith.addi %mul3A_358, %add3A_359 : i32
      %ge3A_361 = arith.constant 2 : i32
      %ge3A_362 = arith.cmpi sge, %add3A_360, %ge3A_361 : i32
      %convert_element_type3A_363 = arith.extui %ge3A_362 : i1 to i32
      %cond3A_364 = arith.constant 0 : i32
      %cond3A_365 = arith.cmpi ne, %convert_element_type3A_363, %cond3A_364 : i32
      scf.if %cond3A_365 {
        %jit3A_423 = arith.constant 8 : i32
        %div3A_424 = arith.divsi %add3A_297, %jit3A_423 : i32
        %sign3A_425 = arith.constant 0 : i32
        %sign3A_426 = arith.cmpi sgt, %add3A_297, %sign3A_425 : i32
        %sign3A_427 = arith.extui %sign3A_426 : i1 to i32
        %sign3A_428 = arith.constant 0 : i32
        %sign3A_429 = arith.cmpi slt, %add3A_297, %sign3A_428 : i32
        %sign3A_430 = arith.extui %sign3A_429 : i1 to i32
        %sign3A_431 = arith.subi %sign3A_427, %sign3A_430 : i32
        %sign3A_432 = arith.constant 0 : i32
        %sign3A_433 = arith.cmpi sgt, %jit3A_423, %sign3A_432 : i32
        %sign3A_434 = arith.extui %sign3A_433 : i1 to i32
        %sign3A_435 = arith.constant 0 : i32
        %sign3A_436 = arith.cmpi slt, %jit3A_423, %sign3A_435 : i32
        %sign3A_437 = arith.extui %sign3A_436 : i1 to i32
        %sign3A_438 = arith.subi %sign3A_434, %sign3A_437 : i32
        %ne3A_439 = arith.cmpi ne, %sign3A_431, %sign3A_438 : i32
        %rem3A_440 = arith.remsi %add3A_297, %jit3A_423 : i32
        %ne3A_441 = arith.constant 0 : i32
        %ne3A_442 = arith.cmpi ne, %rem3A_440, %ne3A_441 : i32
        %and3A_443 = arith.andi %ne3A_439, %ne3A_442 : i1
        %sub3A_444 = arith.constant 1 : i32
        %sub3A_445 = arith.subi %div3A_424, %sub3A_444 : i32
        %select_n3A_446 = arith.select %and3A_443, %sub3A_445, %div3A_424 : i32
        %jit3A_447 = arith.constant 8 : i32
        %eq3A_448 = arith.constant 0 : i32
        %eq3A_449 = arith.cmpi eq, %jit3A_447, %eq3A_448 : i32
        %jit3A_450 = arith.constant 1 : i32
        %select_n3A_451 = arith.select %eq3A_449, %jit3A_450, %jit3A_447 : i32
        %rem3A_452 = arith.remsi %add3A_297, %select_n3A_451 : i32
        %ne3A_453 = arith.constant 0 : i32
        %ne3A_454 = arith.cmpi ne, %rem3A_452, %ne3A_453 : i32
        %lt3A_455 = arith.constant 0 : i32
        %lt3A_456 = arith.cmpi slt, %rem3A_452, %lt3A_455 : i32
        %lt3A_457 = arith.constant 0 : i32
        %lt3A_458 = arith.cmpi slt, %select_n3A_451, %lt3A_457 : i32
        %ne3A_459 = arith.xori %lt3A_456, %lt3A_458 : i1
        %and3A_460 = arith.andi %ne3A_459, %ne3A_454 : i1
        %add3A_461 = arith.addi %rem3A_452, %select_n3A_451 : i32
        %select_n3A_462 = arith.select %and3A_460, %add3A_461, %rem3A_452 : i32
        %mul3A_463 = arith.constant 512 : i32
        %mul3A_464 = arith.muli %select_n3A_462, %mul3A_463 : i32
        %dma_wait3A_465 = arith.constant 0 : i32
        %dma_wait3A_466 = arith.constant 0 : i32
        %dma_wait3A_467 = tpu.memref_slice %arg8[%dma_wait3A_465, %dma_wait3A_466] : memref<32x513xf32, #tpu.memory_space<vmem>> -> memref<32x512xf32, #tpu.memory_space<vmem>>
        %dma_wait3A_468 = arith.constant 0 : i32
        %dma_wait3A_469 = tpu.memref_slice %arg4[%select_n3A_446, %dma_wait3A_468, %mul3A_464] : memref<200x32x4096xf32, #tpu.memory_space<hbm>> -> memref<1x32x512xf32, #tpu.memory_space<hbm>>
        %dma_wait3A_470 = tpu.memref_squeeze %dma_wait3A_469 : memref<1x32x512xf32, #tpu.memory_space<hbm>> -> memref<32x512xf32, #tpu.memory_space<hbm>>
        %dma_wait3A_471 = arith.constant 0 : i32
        %dma_wait3A_472 = tpu.memref_slice %arg4[%select_n3A_446, %dma_wait3A_471, %mul3A_464] : memref<200x32x4096xf32, #tpu.memory_space<hbm>> -> memref<1x32x512xf32, #tpu.memory_space<hbm>>
        %dma_wait3A_473 = tpu.memref_squeeze %dma_wait3A_472 : memref<1x32x512xf32, #tpu.memory_space<hbm>> -> memref<32x512xf32, #tpu.memory_space<hbm>>
        %dma_wait3A_474 = arith.constant 0 : i32
        %dma_wait3A_475 = arith.constant 0 : i32
        %dma_wait3A_476 = tpu.memref_slice %arg8[%dma_wait3A_474, %dma_wait3A_475] : memref<32x513xf32, #tpu.memory_space<vmem>> -> memref<32x512xf32, #tpu.memory_space<vmem>>
        tpu.wait_dma2 semaphore(%arg12 : memref<!tpu.dma_semaphore, #tpu.memory_space<semaphore_mem>>) src(%dma_wait3A_476 : memref<32x512xf32, #tpu.memory_space<vmem>>) dst(%dma_wait3A_473 : memref<32x512xf32, #tpu.memory_space<hbm>>)
      } else {
      }
      %parallel_loop3A_366 = arith.constant 0 : i32
      %parallel_loop3A_367 = arith.constant 512 : i32
      %parallel_loop3A_368 = arith.constant 1 : i32
      scf.for %parallel_loop3A_423 = %parallel_loop3A_366 to %parallel_loop3A_367 step %parallel_loop3A_368  : i32 {
        %parallel_loop3A_424 = vector.broadcast %parallel_loop3A_423 : i32 to vector<16xi32>
        %parallel_loop3A_425 = arith.constant 1 : i32
        %parallel_loop3A_426 = arith.index_cast %parallel_loop3A_425 : i32 to index
        %parallel_loop3A_427 = arith.index_cast %parallel_loop3A_423 : i32 to index
        %parallel_loop3A_428 = arith.constant 0 : index
        %parallel_loop3A_429 = tpu.vector_load %arg6[%parallel_loop3A_426, %parallel_loop3A_427, %parallel_loop3A_428] {strides = array<i32>} : memref<2x512x32xf32, #tpu.memory_space<vmem>>, vector<16xf32>,
        %parallel_loop3A_430 = arith.constant 1 : i32
        %parallel_loop3A_431 = arith.index_cast %parallel_loop3A_430 : i32 to index
        %parallel_loop3A_432 = arith.index_cast %parallel_loop3A_423 : i32 to index
        %parallel_loop3A_433 = arith.constant 16 : index
        %parallel_loop3A_434 = tpu.vector_load %arg6[%parallel_loop3A_431, %parallel_loop3A_432, %parallel_loop3A_433] {strides = array<i32>} : memref<2x512x32xf32, #tpu.memory_space<vmem>>, vector<16xf32>,
        tpu.vector_store_idx %arg8[%iota3A, %parallel_loop3A_424], %parallel_loop3A_429 : memref<32x513xf32, #tpu.memory_space<vmem>>[vector<16xi32>, vector<16xi32>], vector<16xf32>,
        %parallel_loop3A_435 = arith.constant 16 : i32
        %parallel_loop3A_436 = vector.broadcast %parallel_loop3A_435 : i32 to vector<16xi32>
        %parallel_loop3A_437 = arith.addi %iota3A, %parallel_loop3A_436 : vector<16xi32>
        tpu.vector_store_idx %arg8[%parallel_loop3A_437, %parallel_loop3A_424], %parallel_loop3A_434 : memref<32x513xf32, #tpu.memory_space<vmem>>[vector<16xi32>, vector<16xi32>], vector<16xf32>,
      } {sc.loop_unroll_factor = 8 : i64, sc.parallel_access}
      %jit3A_369 = arith.constant 8 : i32
      %div3A_370 = arith.divsi %add3A_297, %jit3A_369 : i32
      %sign3A_371 = arith.constant 0 : i32
      %sign3A_372 = arith.cmpi sgt, %add3A_297, %sign3A_371 : i32
      %sign3A_373 = arith.extui %sign3A_372 : i1 to i32
      %sign3A_374 = arith.constant 0 : i32
      %sign3A_375 = arith.cmpi slt, %add3A_297, %sign3A_374 : i32
      %sign3A_376 = arith.extui %sign3A_375 : i1 to i32
      %sign3A_377 = arith.subi %sign3A_373, %sign3A_376 : i32
      %sign3A_378 = arith.constant 0 : i32
      %sign3A_379 = arith.cmpi sgt, %jit3A_369, %sign3A_378 : i32
      %sign3A_380 = arith.extui %sign3A_379 : i1 to i32
      %sign3A_381 = arith.constant 0 : i32
      %sign3A_382 = arith.cmpi slt, %jit3A_369, %sign3A_381 : i32
      %sign3A_383 = arith.extui %sign3A_382 : i1 to i32
      %sign3A_384 = arith.subi %sign3A_380, %sign3A_383 : i32
      %ne3A_385 = arith.cmpi ne, %sign3A_377, %sign3A_384 : i32
      %rem3A_386 = arith.remsi %add3A_297, %jit3A_369 : i32
      %ne3A_387 = arith.constant 0 : i32
      %ne3A_388 = arith.cmpi ne, %rem3A_386, %ne3A_387 : i32
      %and3A_389 = arith.andi %ne3A_385, %ne3A_388 : i1
      %sub3A_390 = arith.constant 1 : i32
      %sub3A_391 = arith.subi %div3A_370, %sub3A_390 : i32
      %select_n3A_392 = arith.select %and3A_389, %sub3A_391, %div3A_370 : i32
      %jit3A_393 = arith.constant 8 : i32
      %eq3A_394 = arith.constant 0 : i32
      %eq3A_395 = arith.cmpi eq, %jit3A_393, %eq3A_394 : i32
      %jit3A_396 = arith.constant 1 : i32
      %select_n3A_397 = arith.select %eq3A_395, %jit3A_396, %jit3A_393 : i32
      %rem3A_398 = arith.remsi %add3A_297, %select_n3A_397 : i32
      %ne3A_399 = arith.constant 0 : i32
      %ne3A_400 = arith.cmpi ne, %rem3A_398, %ne3A_399 : i32
      %lt3A_401 = arith.constant 0 : i32
      %lt3A_402 = arith.cmpi slt, %rem3A_398, %lt3A_401 : i32
      %lt3A_403 = arith.constant 0 : i32
      %lt3A_404 = arith.cmpi slt, %select_n3A_397, %lt3A_403 : i32
      %ne3A_405 = arith.xori %lt3A_402, %lt3A_404 : i1
      %and3A_406 = arith.andi %ne3A_405, %ne3A_400 : i1
      %add3A_407 = arith.addi %rem3A_398, %select_n3A_397 : i32
      %select_n3A_408 = arith.select %and3A_406, %add3A_407, %rem3A_398 : i32
      %mul3A_409 = arith.constant 512 : i32
      %mul3A_410 = arith.muli %select_n3A_408, %mul3A_409 : i32
      %dma_start3A_411 = arith.constant 0 : i32
      %dma_start3A_412 = arith.constant 0 : i32
      %dma_start3A_413 = tpu.memref_slice %arg8[%dma_start3A_411, %dma_start3A_412] : memref<32x513xf32, #tpu.memory_space<vmem>> -> memref<32x512xf32, #tpu.memory_space<vmem>>
      %dma_start3A_414 = arith.constant 0 : i32
      %dma_start3A_415 = tpu.memref_slice %arg4[%select_n3A_392, %dma_start3A_414, %mul3A_410] : memref<200x32x4096xf32, #tpu.memory_space<hbm>> -> memref<1x32x512xf32, #tpu.memory_space<hbm>>
      %dma_start3A_416 = tpu.memref_squeeze %dma_start3A_415 : memref<1x32x512xf32, #tpu.memory_space<hbm>> -> memref<32x512xf32, #tpu.memory_space<hbm>>
      %dma_start3A_417 = arith.constant 0 : i32
      %dma_start3A_418 = tpu.memref_slice %arg4[%select_n3A_392, %dma_start3A_417, %mul3A_410] : memref<200x32x4096xf32, #tpu.memory_space<hbm>> -> memref<1x32x512xf32, #tpu.memory_space<hbm>>
      %dma_start3A_419 = tpu.memref_squeeze %dma_start3A_418 : memref<1x32x512xf32, #tpu.memory_space<hbm>> -> memref<32x512xf32, #tpu.memory_space<hbm>>
      %dma_start3A_420 = arith.constant 0 : i32
      %dma_start3A_421 = arith.constant 0 : i32
      %dma_start3A_422 = tpu.memref_slice %arg8[%dma_start3A_420, %dma_start3A_421] : memref<32x513xf32, #tpu.memory_space<vmem>> -> memref<32x512xf32, #tpu.memory_space<vmem>>
      tpu.enqueue_dma source(%dma_start3A_422 : memref<32x512xf32, #tpu.memory_space<vmem>>) target(%dma_start3A_419 : memref<32x512xf32, #tpu.memory_space<hbm>>) target_semaphore(%arg12 : memref<!tpu.dma_semaphore, #tpu.memory_space<semaphore_mem>>)
    }
    %scan3A_56 = arith.constant 25 : i32
    %add3A_57 = arith.constant 50 : i32
    %add3A_58 = arith.addi %mul3A_2, %add3A_57 : i32
    %sub3A = arith.constant 2 : i32
    %sub3A_59 = arith.subi %add3A_58, %sub3A : i32
    %add3A_60 = arith.constant 0 : i32
    %add3A_61 = arith.addi %sub3A_59, %add3A_60 : i32
    %jit3A = arith.constant 8 : i32
    %div3A = arith.divsi %add3A_61, %jit3A : i32
    %sign3A = arith.constant 0 : i32
    %sign3A_62 = arith.cmpi sgt, %add3A_61, %sign3A : i32
    %sign3A_63 = arith.extui %sign3A_62 : i1 to i32
    %sign3A_64 = arith.constant 0 : i32
    %sign3A_65 = arith.cmpi slt, %add3A_61, %sign3A_64 : i32
    %sign3A_66 = arith.extui %sign3A_65 : i1 to i32
    %sign3A_67 = arith.subi %sign3A_63, %sign3A_66 : i32
    %sign3A_68 = arith.constant 0 : i32
    %sign3A_69 = arith.cmpi sgt, %jit3A, %sign3A_68 : i32
    %sign3A_70 = arith.extui %sign3A_69 : i1 to i32
    %sign3A_71 = arith.constant 0 : i32
    %sign3A_72 = arith.cmpi slt, %jit3A, %sign3A_71 : i32
    %sign3A_73 = arith.extui %sign3A_72 : i1 to i32
    %sign3A_74 = arith.subi %sign3A_70, %sign3A_73 : i32
    %ne3A = arith.cmpi ne, %sign3A_67, %sign3A_74 : i32
    %rem3A = arith.remsi %add3A_61, %jit3A : i32
    %ne3A_75 = arith.constant 0 : i32
    %ne3A_76 = arith.cmpi ne, %rem3A, %ne3A_75 : i32
    %and3A = arith.andi %ne3A, %ne3A_76 : i1
    %sub3A_77 = arith.constant 1 : i32
    %sub3A_78 = arith.subi %div3A, %sub3A_77 : i32
    %select_n3A = arith.select %and3A, %sub3A_78, %div3A : i32
    %jit3A_79 = arith.constant 8 : i32
    %eq3A = arith.constant 0 : i32
    %eq3A_80 = arith.cmpi eq, %jit3A_79, %eq3A : i32
    %jit3A_81 = arith.constant 1 : i32
    %select_n3A_82 = arith.select %eq3A_80, %jit3A_81, %jit3A_79 : i32
    %rem3A_83 = arith.remsi %add3A_61, %select_n3A_82 : i32
    %ne3A_84 = arith.constant 0 : i32
    %ne3A_85 = arith.cmpi ne, %rem3A_83, %ne3A_84 : i32
    %lt3A = arith.constant 0 : i32
    %lt3A_86 = arith.cmpi slt, %rem3A_83, %lt3A : i32
    %lt3A_87 = arith.constant 0 : i32
    %lt3A_88 = arith.cmpi slt, %select_n3A_82, %lt3A_87 : i32
    %ne3A_89 = arith.xori %lt3A_86, %lt3A_88 : i1
    %and3A_90 = arith.andi %ne3A_89, %ne3A_85 : i1
    %add3A_91 = arith.addi %rem3A_83, %select_n3A_82 : i32
    %select_n3A_92 = arith.select %and3A_90, %add3A_91, %rem3A_83 : i32
    %mul3A_93 = arith.constant 512 : i32
    %mul3A_94 = arith.muli %select_n3A_92, %mul3A_93 : i32
    %dma_wait3A = arith.constant 0 : i32
    %dma_wait3A_95 = arith.constant 0 : i32
    %dma_wait3A_96 = tpu.memref_slice %arg7[%dma_wait3A, %dma_wait3A_95] : memref<32x513xf32, #tpu.memory_space<vmem>> -> memref<32x512xf32, #tpu.memory_space<vmem>>
    %dma_wait3A_97 = arith.constant 0 : i32
    %dma_wait3A_98 = tpu.memref_slice %arg4[%select_n3A, %dma_wait3A_97, %mul3A_94] : memref<200x32x4096xf32, #tpu.memory_space<hbm>> -> memref<1x32x512xf32, #tpu.memory_space<hbm>>
    %dma_wait3A_99 = tpu.memref_squeeze %dma_wait3A_98 : memref<1x32x512xf32, #tpu.memory_space<hbm>> -> memref<32x512xf32, #tpu.memory_space<hbm>>
    %dma_wait3A_100 = arith.constant 0 : i32
    %dma_wait3A_101 = tpu.memref_slice %arg4[%select_n3A, %dma_wait3A_100, %mul3A_94] : memref<200x32x4096xf32, #tpu.memory_space<hbm>> -> memref<1x32x512xf32, #tpu.memory_space<hbm>>
    %dma_wait3A_102 = tpu.memref_squeeze %dma_wait3A_101 : memref<1x32x512xf32, #tpu.memory_space<hbm>> -> memref<32x512xf32, #tpu.memory_space<hbm>>
    %dma_wait3A_103 = arith.constant 0 : i32
    %dma_wait3A_104 = arith.constant 0 : i32
    %dma_wait3A_105 = tpu.memref_slice %arg7[%dma_wait3A_103, %dma_wait3A_104] : memref<32x513xf32, #tpu.memory_space<vmem>> -> memref<32x512xf32, #tpu.memory_space<vmem>>
    tpu.wait_dma2 semaphore(%arg11 : memref<!tpu.dma_semaphore, #tpu.memory_space<semaphore_mem>>) src(%dma_wait3A_105 : memref<32x512xf32, #tpu.memory_space<vmem>>) dst(%dma_wait3A_102 : memref<32x512xf32, #tpu.memory_space<hbm>>)
    %add3A_106 = arith.constant 50 : i32
    %add3A_107 = arith.addi %mul3A_2, %add3A_106 : i32
    %sub3A_108 = arith.constant 2 : i32
    %sub3A_109 = arith.subi %add3A_107, %sub3A_108 : i32
    %add3A_110 = arith.constant 1 : i32
    %add3A_111 = arith.addi %sub3A_109, %add3A_110 : i32
    %jit3A_112 = arith.constant 8 : i32
    %div3A_113 = arith.divsi %add3A_111, %jit3A_112 : i32
    %sign3A_114 = arith.constant 0 : i32
    %sign3A_115 = arith.cmpi sgt, %add3A_111, %sign3A_114 : i32
    %sign3A_116 = arith.extui %sign3A_115 : i1 to i32
    %sign3A_117 = arith.constant 0 : i32
    %sign3A_118 = arith.cmpi slt, %add3A_111, %sign3A_117 : i32
    %sign3A_119 = arith.extui %sign3A_118 : i1 to i32
    %sign3A_120 = arith.subi %sign3A_116, %sign3A_119 : i32
    %sign3A_121 = arith.constant 0 : i32
    %sign3A_122 = arith.cmpi sgt, %jit3A_112, %sign3A_121 : i32
    %sign3A_123 = arith.extui %sign3A_122 : i1 to i32
    %sign3A_124 = arith.constant 0 : i32
    %sign3A_125 = arith.cmpi slt, %jit3A_112, %sign3A_124 : i32
    %sign3A_126 = arith.extui %sign3A_125 : i1 to i32
    %sign3A_127 = arith.subi %sign3A_123, %sign3A_126 : i32
    %ne3A_128 = arith.cmpi ne, %sign3A_120, %sign3A_127 : i32
    %rem3A_129 = arith.remsi %add3A_111, %jit3A_112 : i32
    %ne3A_130 = arith.constant 0 : i32
    %ne3A_131 = arith.cmpi ne, %rem3A_129, %ne3A_130 : i32
    %and3A_132 = arith.andi %ne3A_128, %ne3A_131 : i1
    %sub3A_133 = arith.constant 1 : i32
    %sub3A_134 = arith.subi %div3A_113, %sub3A_133 : i32
    %select_n3A_135 = arith.select %and3A_132, %sub3A_134, %div3A_113 : i32
    %jit3A_136 = arith.constant 8 : i32
    %eq3A_137 = arith.constant 0 : i32
    %eq3A_138 = arith.cmpi eq, %jit3A_136, %eq3A_137 : i32
    %jit3A_139 = arith.constant 1 : i32
    %select_n3A_140 = arith.select %eq3A_138, %jit3A_139, %jit3A_136 : i32
    %rem3A_141 = arith.remsi %add3A_111, %select_n3A_140 : i32
    %ne3A_142 = arith.constant 0 : i32
    %ne3A_143 = arith.cmpi ne, %rem3A_141, %ne3A_142 : i32
    %lt3A_144 = arith.constant 0 : i32
    %lt3A_145 = arith.cmpi slt, %rem3A_141, %lt3A_144 : i32
    %lt3A_146 = arith.constant 0 : i32
    %lt3A_147 = arith.cmpi slt, %select_n3A_140, %lt3A_146 : i32
    %ne3A_148 = arith.xori %lt3A_145, %lt3A_147 : i1
    %and3A_149 = arith.andi %ne3A_148, %ne3A_143 : i1
    %add3A_150 = arith.addi %rem3A_141, %select_n3A_140 : i32
    %select_n3A_151 = arith.select %and3A_149, %add3A_150, %rem3A_141 : i32
    %mul3A_152 = arith.constant 512 : i32
    %mul3A_153 = arith.muli %select_n3A_151, %mul3A_152 : i32
    %dma_wait3A_154 = arith.constant 0 : i32
    %dma_wait3A_155 = arith.constant 0 : i32
    %dma_wait3A_156 = tpu.memref_slice %arg8[%dma_wait3A_154, %dma_wait3A_155] : memref<32x513xf32, #tpu.memory_space<vmem>> -> memref<32x512xf32, #tpu.memory_space<vmem>>
    %dma_wait3A_157 = arith.constant 0 : i32
    %dma_wait3A_158 = tpu.memref_slice %arg4[%select_n3A_135, %dma_wait3A_157, %mul3A_153] : memref<200x32x4096xf32, #tpu.memory_space<hbm>> -> memref<1x32x512xf32, #tpu.memory_space<hbm>>
    %dma_wait3A_159 = tpu.memref_squeeze %dma_wait3A_158 : memref<1x32x512xf32, #tpu.memory_space<hbm>> -> memref<32x512xf32, #tpu.memory_space<hbm>>
    %dma_wait3A_160 = arith.constant 0 : i32
    %dma_wait3A_161 = tpu.memref_slice %arg4[%select_n3A_135, %dma_wait3A_160, %mul3A_153] : memref<200x32x4096xf32, #tpu.memory_space<hbm>> -> memref<1x32x512xf32, #tpu.memory_space<hbm>>
    %dma_wait3A_162 = tpu.memref_squeeze %dma_wait3A_161 : memref<1x32x512xf32, #tpu.memory_space<hbm>> -> memref<32x512xf32, #tpu.memory_space<hbm>>
    %dma_wait3A_163 = arith.constant 0 : i32
    %dma_wait3A_164 = arith.constant 0 : i32
    %dma_wait3A_165 = tpu.memref_slice %arg8[%dma_wait3A_163, %dma_wait3A_164] : memref<32x513xf32, #tpu.memory_space<vmem>> -> memref<32x512xf32, #tpu.memory_space<vmem>>
    tpu.wait_dma2 semaphore(%arg12 : memref<!tpu.dma_semaphore, #tpu.memory_space<semaphore_mem>>) src(%dma_wait3A_165 : memref<32x512xf32, #tpu.memory_space<vmem>>) dst(%dma_wait3A_162 : memref<32x512xf32, #tpu.memory_space<hbm>>)
    return
  }
}

</mosaic_0001>

<sc_bundles>
// kernel: kernel.3.cloned.1.call-start
scs
__scs_entry_jumppad:
0x0: {  	(pc) =	sbr.rel $0x88, $3  }
0x1: {  	(tag) =	ssettag $0x0;
	lr =	simm.s32 $0x1  }
0x2: {  	[smem:$0x3F9F] =	sst lr;
	_ =	strace $0xD0000000  }
0x3: {  	_ = 	snop  }
0x4: {  	_ = 	snop  }
0x5: {  	_ = 	snop  }
0x6: {  	_ = 	snop  }
0x7: {  	_ = 	snop  }
__scs_overlays_trampoline_lowered:
0x8: {  	[smem:$0x3FAE] =	sst s0  }
0x9: {  	[smem:$0x3FAF] =	sst s1  }
0xa: {  	[smem:$0x3FB0] =	sst s2  }
0xb: {  	[smem:$0x3FB1] =	sst s3  }
0xc: {  	[smem:$0x3FB2] =	sst s4  }
0xd: {  	[smem:$0x3FB3] =	sst s5  }
0xe: {  	[smem:$0x3FB4] =	sst s6  }
0xf: {  	[smem:$0x3FB5] =	sst s7  }
0x10: {  	[smem:$0x3FB6] =	sst s8  }
0x11: {  	[smem:$0x3FB7] =	sst s9;
	s0 =	simm.s32 @!p0 $0x0  }
0x12: {  	s1 =	sld [smem:$0x3F9D];
	s0 =	simm.s32 @p0 $0x1  }
0x13: {  	[smem:$0x3FB8] =	sst s0;
	s0 =	simm.s32 @!p1 $0x0  }
0x14: {  	s2 =	sld [smem:$0x3F9C];
	s0 =	simm.s32 @p1 $0x1  }
0x15: {  	[smem:$0x3FB9] =	sst s0;
	s0 =	simm.s32 @!p2 $0x0  }
0x16: {  	s3 =	sld [smem:$0x3FDB];
	s0 =	simm.s32 @p2 $0x1  }
0x17: {  	s4 =	simm.s32 $0x1BF5;
	[smem:$0x3FBB] =	sst s0  }
0x18: {  	s0 =	sld [smem:$0x3F9E];
	_ =	swait.ge [sflag:s4], $0x0  }
0x19: {  	s7 =	sld [smem:$0x3F9F]  }
0x1a: {  	s8 =	sadd.s32 $0xFFFFE003, lr  }
0x1b: {  	s9 =	sadd.s32 $0xFFFFFEF7, lr;
	s5 =	simm.s32 $0xFFFFFFFF;
	p2 =	slt.u32 s8, $0xFFFFF086  }
0x1c: {  	p1 =	slt.u32 s9, $0xF7A;
	s5 =	simm.s32 @!p2 $0x0  }
0x1d: {  	s5 =	simm.s32 @p1 $0x1;
	p0 =	seq.s32 s7, s2  }
0x1e: {  	s7 =	smul.u32 @!p0 $0xF7A, s2;
	p2 =	seq.s32 @!p0 s5, $0x0  }
0x1f: {  	s9 =	smul.u32 $0xF7A, s1;
	s8 =	simm.s32 @!p0 $0x1BF5;
	p2 =	por !p2, p0  }
0x20: {  	[sflag:s8] =	ssyncset.s32 @!p0 $0xFFFFF086;
	s6 =	sadd.s32 @!p0 s3, s7;
	s7 =	simm.s32 @!p0 $0x108  }
0x21: {  	s3 =	sadd.s32 s3, s9;
	s6 =	sadd.s32 @!p0 $0x88, s6;
	s7 =	simm.s32 @p2 $0x1082  }
0x22: {  	[simem:s7], [sflag:s8] =	dma.local @!p0 [hbm:s6], $0xF7A  }
0x23: {  	s9 =	sor.u32 $0xD0000000, s2;
	s6 =	simm.s32 $0x108;
	_ =	swait.ge @!p0 [sflag:s8], $0x0  }
0x24: {  	s3 =	sadd.s32 $0x88, s3;
	s6 =	simm.s32 @!p1 $0x1082;
	[sflag:s4] =	ssyncset.s32 $0xFFFFF086  }
0x25: {  	[simem:s6], [sflag:s4] =	dma.local [hbm:s3], $0xF7A  }
0x26: {  	[smem:$0x3F9F] =	sst s1;
	(tag) =	ssettag s2;
	_ =	strace s9  }
0x27: {  	s1 =	sld [smem:$0x3FAF]  }
0x28: {  	s2 =	sld [smem:$0x3FB0]  }
0x29: {  	s4 =	sld [smem:$0x3FB2]  }
0x2a: {  	p0 =	seq.s32 s5, $0x0;
	s5 =	sld [smem:$0x3FB3]  }
0x2b: {  	s6 =	sld [smem:$0x3FB4]  }
0x2c: {  	s7 =	sld [smem:$0x3FB5]  }
0x2d: {  	s3 =	simm.s32 $0x108;
	s8 =	sld [smem:$0x3FB6]  }
0x2e: {  	s3 =	simm.s32 @!p0 $0x1082;
	s9 =	sld [smem:$0x3FB7]  }
0x2f: {  	lr =	sadd.s32 s0, s3;
	s0 =	sld [smem:$0x3FAE]  }
0x30: {  	s3 =	sld [smem:$0x3FB1]  }
0x31: {  	[smem:$0x3FBA] =	sst s10  }
0x32: {  	s10 =	sld [smem:$0x3FB8];
	_ =	sdelay $0x3  }
0x33: {  	p0 =	seq.s32 s10, $0x1;
	s10 =	sld [smem:$0x3FBA];
	_ =	sdelay $0x3  }
0x34: {  	[smem:$0x3FBA] =	sst s10  }
0x35: {  	s10 =	sld [smem:$0x3FB9];
	_ =	sdelay $0x3  }
0x36: {  	p1 =	seq.s32 s10, $0x1;
	s10 =	sld [smem:$0x3FBA];
	_ =	sdelay $0x3  }
0x37: {  	[smem:$0x3FBA] =	sst s10  }
0x38: {  	s10 =	sld [smem:$0x3FBB]  }
0x39: {  	_ = 	snop;
	(pc) =	sbr.ind lr, $3  }
0x3a: {  	_ = 	snop  }
0x3b: {  	_ = 	snop  }
0x3c: {  	p2 =	seq.s32 s10, $0x1;
	s10 =	sld [smem:$0x3FBA]  }
0x3d: {  	_ =	shalt  }
0x3e: {  	_ =	shalt  }
0x3f: {  	_ =	shalt  }
0x40: {  	_ =	shalt  }
0x41: {  	_ =	shalt  }
0x42: {  	_ =	shalt  }
0x43: {  	_ =	shalt  }
0x44: {  	_ =	shalt  }
0x45: {  	_ =	shalt  }
0x46: {  	_ =	shalt  }
0x47: {  	_ =	shalt  }
0x48: {  	_ =	shalt  }
0x49: {  	_ =	shalt  }
0x4a: {  	_ =	shalt  }
0x4b: {  	_ =	shalt  }
0x4c: {  	_ =	shalt  }
0x4d: {  	_ =	shalt  }
0x4e: {  	_ =	shalt  }
0x4f: {  	_ =	shalt  }
0x50: {  	_ =	shalt  }
0x51: {  	_ =	shalt  }
0x52: {  	_ =	shalt  }
0x53: {  	_ =	shalt  }
0x54: {  	_ =	shalt  }
0x55: {  	_ =	shalt  }
0x56: {  	_ =	shalt  }
0x57: {  	_ =	shalt  }
0x58: {  	_ =	shalt  }
0x59: {  	_ =	shalt  }
0x5a: {  	_ =	shalt  }
0x5b: {  	_ =	shalt  }
0x5c: {  	_ =	shalt  }
0x5d: {  	_ =	shalt  }
0x5e: {  	_ =	shalt  }
0x5f: {  	_ =	shalt  }
0x60: {  	_ =	shalt  }
0x61: {  	_ =	shalt  }
0x62: {  	_ =	shalt  }
0x63: {  	_ =	shalt  }
0x64: {  	_ =	shalt  }
0x65: {  	_ =	shalt  }
0x66: {  	_ =	shalt  }
0x67: {  	_ =	shalt  }
0x68: {  	_ =	shalt  }
0x69: {  	_ =	shalt  }
0x6a: {  	_ =	shalt  }
0x6b: {  	_ =	shalt  }
0x6c: {  	_ =	shalt  }
0x6d: {  	_ =	shalt  }
0x6e: {  	_ =	shalt  }
0x6f: {  	_ =	shalt  }
0x70: {  	_ =	shalt  }
0x71: {  	_ =	shalt  }
0x72: {  	_ =	shalt  }
0x73: {  	_ =	shalt  }
0x74: {  	_ =	shalt  }
0x75: {  	_ =	shalt  }
0x76: {  	_ =	shalt  }
0x77: {  	_ =	shalt  }
0x78: {  	_ =	shalt  }
0x79: {  	_ =	shalt  }
0x7a: {  	_ =	shalt  }
0x7b: {  	_ =	shalt  }
0x7c: {  	_ =	shalt  }
0x7d: {  	_ =	shalt  }
0x7e: {  	_ =	shalt  }
0x7f: {  	_ =	shalt  }
0x80: {  	_ =	shalt  }
0x81: {  	_ =	shalt  }
0x82: {  	_ =	shalt  }
0x83: {  	_ =	shalt  }
0x84: {  	_ =	shalt  }
0x85: {  	_ =	shalt  }
0x86: {  	_ =	shalt  }
0x87: {  	_ =	shalt  }
.Lfunc_end0:
.L_simem_size_0:
called_computation_lowered:
.L_overlay_start_0:
0x88: {  	s2 =	sld [smem:$0x3FD9]  }
0x89: {  	s3 =	sld [smem:$0x3FFE];
	_ =	sdelay $0x1  }
0x8a: {  	s1 =	srdreg.scid  }
0x8b: {  	s0 =	sand.u32 $0x1, s1  }
0x8c: {  	s17 =	sshll.u32 s0, $0xA;
	s2 =	sadd.s32 s3, s2  }
0x8d: {  	s2 =	sadd.s32 s2, s17  }
0x8e: {  	[smem:$0x3FC6] =	sst s2  }
0x8f: {  	_ = 	snop  }
0x90: {  	s2 =	sld [smem:$0x3FD0];
	(tm) =	ssettm $0x1  }
0x91: {  	s18 =	sld [smem:$0x3FFB];
	_ =	sdelay $0x3  }
0x92: {  	_ =	strace s18  }
0x93: {  	s3 =	sld [smem:$0x3FFC];
	_ =	sdelay $0x3  }
0x94: {  	_ =	strace s3  }
0x95: {  	s3 =	sld [smem:$0x3FFD];
	_ =	sdelay $0x3  }
0x96: {  	_ =	strace s3  }
0x97: {  	_ =	strace $0x8FFFFFFF  }
0x98: {  	s19 =	sld [smem:$0x3FDB];
	_ =	sdelay $0x1  }
0x99: {  	s4 =	simm.s32 $_scs_section_size  }
0x9a: {  	s5 =	simm.s32 $_size__tile_overlayer_lowered;
	s6 =	simm.s32 $_tile_overlayer_lowered  }
0x9b: {  	s22 =	simm.s32 $0x1BFF;
	s21 =	sshll.u32 s6, $0x1;
	s3 =	sadd.s32 s4, s19  }
0x9c: {  	s7 =	simm.s32 $0x0;
	s20 =	sshll.u32 s5, $0x1;
	s5 =	sadd.s32 s21, s3  }
0x9d: {  	[timem:s7], [sflag:s22] =	dma.local [hbm:s5], s20  }
0x9e: {  	_ =	swait.ge [sflag:s22], s20  }
0x9f: {  	s4 =	ssub.s32 $0x0, s20;
	[sflag:s22] =	ssyncset.done $0x0  }
0xa0: {  	[sflag:s22] =	ssyncadd.s32 s4;
	_ =	sdelay $0x1  }
0xa1: {  	s23 =	simm.s32 $0x1B8B  }
0xa2: {  	_ =	swait.ge [sflag:s23], $0x1  }
0xa3: {  	[sflag:s23] =	ssyncset.done $0x0  }
0xa4: {  	s25 =	simm.s32 $0x1B8E;
	s24 =	sld [smem:$0x3FFE];
	[sflag:s23] =	ssyncadd.s32 $0xFFFFFFFF  }
0xa5: {  	s26 =	simm.s32 $execute0_lowered;
	[smem:$0x3FD2] =	sst s25  }
0xa6: {  	s5 =	sshll.u32 s26, $0x1;
	_ =	strace $0x80000046;
	[dreg:$0x1] =	wrdreg $0xFFFFFFFF  }
0xa7: {  	s28 =	simm.s32 $_size_execute0_lowered;
	s3 =	sadd.s32 s3, s5;
	[dreg:$0x0] =	wrdreg $0x0  }
0xa8: {  	s5 =	sshll.u32 s28, $0x1;
	[dreg:$0x2] =	wrdreg s3  }
0xa9: {  	[dreg:$0x3] =	wrdreg s5  }
0xaa: {  	[dreg:$0x4] =	wrdreg $0xC0  }
0xab: {  	_ =	task [dreg:s7], $0x5FFFF  }
0xac: {  	[dreg:$0x1] =	wrdreg $0xFFFFFFFF  }
0xad: {  	[dreg:$0x0] =	wrdreg $0x60  }
0xae: {  	[dreg:$0x2] =	wrdreg s2  }
0xaf: {  	[dreg:$0x3] =	wrdreg s24  }
0xb0: {  	[dreg:$0x4] =	wrdreg $0x9  }
0xb1: {  	_ =	task.clear_ibuf [dreg:s7], $0x5FFFF;
	_ =	strace $0x90000046  }
0xb2: {  	s29 =	simm.s32 $0x9;
	_ =	strace $0x80000048  }
0xb3: {  	_ =	swait.ge [sflag:s29], $0x1  }
0xb4: {  	[sflag:s29] =	ssyncadd.s32 $0xFFFFFFFF  }
0xb5: {  	_ =	strace $0x90000048  }
0xb6: {  	_ =	sfence  }
0xb7: {  	s30 =	sld [smem:$0x0];
	_ =	sdelay $0x2  }
0xb8: {  	s31 =	sshll.u32 s1, $0xD;
	s1 =	sshrl.u32 s1, $0x2  }
0xb9: {  	s3 =	sand.u32 $0x4000, s31;
	s1 =	sadd.s32 s1, s30  }
0xba: {  	s0 =	sor.u32 s3, s0;
	s1 =	sshll.u32 s1, $0x11  }
0xbb: {  	s0 =	sor.u32 s1, s0  }
0xbc: {  	s0 =	sadd.s32 $0x8F2B, s0  }
0xbd: {  	[sflag:s0] =	ssyncadd.remote.s32 $0x1  }
0xbe: {  	_ =	sfence.sel $0xFFFF  }
0xbf: {  	[dreg:$0x0] =	wrdreg $0xFFFFFFFF;
	(pc) =	sbr.abs _section_cstart, $3  }
0xc0: {  	[dreg:$0x1] =	wrdreg $0xFFFFFFFF  }
0xc1: {  	_ =	task.clear_ibuf [dreg:s7], $0x2FFFF;
	_ =	strace $0x9FFFFFFF  }
0xc2: {  	(tm) =	ssettm $0x7FFFFFFF  }
0xc3: {  	_ =	shalt  }
tec
execute0_lowered:
.L_overlay_start_1:
0x0: {  	(tag) =	ssettag $0x1  }
0x1: {  	s0 =	rddreg [dreg:$0x0]  }
0x2: {  	s1 =	rddreg [dreg:$0x1];
	s2 =	simm.s32 $0x0  }
0x3: {  	s3 =	srdreg.scid;
	s4 =	stileid.u32;
	s10 =	simm.s32 $0x5  }
0x4: {  	s11 =	simm.s32 $0x80;
	s18 =	simm.s32 $0x1;
	s19 =	simm.s32 $0x200  }
0x5: {  	s20 =	simm.s32 $0x4400;
	s21 =	simm.s32 $0x280;
	s22 =	simm.s32 $0x5400  }
0x6: {  	s23 =	simm.s32 $0x300;
	s24 =	simm.s32 $0x6400;
	s28 =	simm.s32 $0x8400  }
0x7: {  	v0 =	vlaneseq.u32;
	s29 =	simm.s32 $0x2;
	s30 =	simm.s32 $0xC500;
	[smem:$0x7FF] =	sst s2  }
0x8: {  	v1 =	vimm.s32 $0x0;
	vm0 =	vcmask $0x300;
	s3 =	sand.u32 $0x1, s3;
	s4 =	sshll.u32 s4, $0x1;
	v0 =	vmul.u32 $0x208, v0;
	_ =	strace $0x80000047  }
0x9: {  	v1 =	vsel vm0, $0x3, v1;
	s5 =	ssub.s32 $0x2, s3;
	s6 =	sor.u32 s3, s4;
	s3 =	sadd.s32 $0xF42A00, s1  }
0xa: {  	s4 =	sadd.s32 $0x600, s1;
	s7 =	sshrl.u32 s5, $0x1;
	s8 =	smul.u32 $0xC80, s6;
	v2 =	vadd.s32 $0x2080, v0;
	v3 =	vor.u32 $0x1, v0;
	v4 =	vadd.s32 $0x2081, v0  }
0xb: {  	s1 =	simm.s32 $0x0;
	v5 =	vor.u32 $0x2, v0;
	v6 =	vadd.s32 $0x2082, v0;
	v7 =	vor.u32 $0x3, v0;
	s25 =	ssub.s32 s5, s7;
	s5 =	smul.u32 $0x32, s6  }
0xc: {  	v8 =	vadd.s32 $0x2083, v0;
	v9 =	vor.u32 $0x4, v0;
	v10 =	vadd.s32 $0x2084, v0;
	s7 =	sadd.s32 $0x40, s0;
	s26 =	sadd.s32 s0, s8;
	s8 =	sadd.s32 $0x80, s0  }
0xd: {  	v11 =	vor.u32 $0x5, v0;
	v12 =	vadd.s32 $0x2085, v0;
	v13 =	vor.u32 $0x6, v0;
	s31 =	smax.u32 s25, $0x1;
	s25 =	simm.s32 $0x380;
	[dreg:$0x3] =	wrdreg s26  }
0xe: {  	v14 =	vadd.s32 $0x2086, v0;
	v15 =	vor.u32 $0x7, v0;
	v16 =	vadd.s32 $0x2087, v0;
	s0 =	simm.s32 $0x4;
	[dreg:$0x4] =	wrdreg s31;
	s26 =	simm.s32 $0x7400  }
.LBB2_1:
0xf: {  	s6 =	rddreg [dreg:$0x3]  }
0x10: {  	[tilespmem:s2], [sflag:$0x5] =	stream.linear.gather [hbm4b:s6+s2], $0x200, $0x38;
	[tilespmem:$0x10600] =	vst v63  }
0x11: {  	_ =	swait.ge [sflag:s10], $0x200  }
0x12: {  	[sflag:s10] =	ssyncset.done $0x0  }
0x13: {  	s14 =	simm.s32 $0x400;
	[sflag:s10] =	ssyncadd.s32 $0xFFFFFE00  }
0x14: {  	[tilespmem:s14], [sflag:$0x1] =	stream.indirect.gather [hbm4b:s3+s11], $0x20, s2, s11, $0xb8;
	[tilespmem:$0x10600] =	vst v63  }
0x15: {  	s15 =	simm.s32 $0x1400  }
0x16: {  	[tilespmem:s15], [sflag:$0x1] =	stream.indirect.gather [hbm4b:s3+s11], $0x20, s11, s11, $0xb8;
	[tilespmem:$0x10600] =	vst v63  }
0x17: {  	s16 =	simm.s32 $0x100;
	s9 =	simm.s32 $0x2400  }
0x18: {  	[tilespmem:s9], [sflag:$0x1] =	stream.indirect.gather [hbm4b:s3+s11], $0x20, s16, s11, $0xb8;
	[tilespmem:$0x10600] =	vst v63  }
0x19: {  	s17 =	simm.s32 $0x180;
	s31 =	simm.s32 $0x3400;
	s12 =	simm.s32 $0x0  }
0x1a: {  	[tilespmem:s31], [sflag:$0x1] =	stream.indirect.gather [hbm4b:s3+s11], $0x20, s17, s11, $0xb8;
	[tilespmem:$0x10600] =	vst v63  }
.LBB2_2:
0x1b: {  	_ =	swait.ge [sflag:s18], $0x1000  }
0x1c: {  	[sflag:s18] =	ssyncset.done $0x0  }
0x1d: {  	[sflag:s18] =	ssyncadd.s32 $0xFFFFF000  }
0x1e: {  	_ =	swait.ge [sflag:s18], $0x1000  }
0x1f: {  	[sflag:s18] =	ssyncset.done $0x0  }
0x20: {  	[sflag:s18] =	ssyncadd.s32 $0xFFFFF000  }
0x21: {  	_ =	swait.ge [sflag:s18], $0x1000  }
0x22: {  	[sflag:s18] =	ssyncset.done $0x0  }
0x23: {  	s6 =	sshll.u32 s12, $0x1;
	[sflag:s18] =	ssyncadd.s32 $0xFFFFF000  }
0x24: {  	s13 =	sadd.s32 s5, s6;
	_ =	swait.ge [sflag:s18], $0x1000  }
0x25: {  	s15 =	sshll.u32 s13, $0x6;
	[sflag:s18] =	ssyncset.done $0x0  }
0x26: {  	s9 =	sadd.s32 s15, s7;
	[sflag:s18] =	ssyncadd.s32 $0xFFFFF000  }
0x27: {  	[tilespmem:s19], [sflag:$0x5] =	stream.linear.gather [hbm4b:s9+s2], $0x200, $0x38;
	[tilespmem:$0x10600] =	vst v63  }
0x28: {  	_ =	swait.ge [sflag:s10], $0x200  }
0x29: {  	[sflag:s10] =	ssyncset.done $0x0  }
0x2a: {  	[sflag:s10] =	ssyncadd.s32 $0xFFFFFE00  }
0x2b: {  	[tilespmem:s20], [sflag:$0x2] =	stream.indirect.gather [hbm4b:s3+s11], $0x20, s19, s11, $0xb8;
	[tilespmem:$0x10600] =	vst v63  }
0x2c: {  	_ = 	snop  }
0x2d: {  	[tilespmem:s22], [sflag:$0x2] =	stream.indirect.gather [hbm4b:s3+s11], $0x20, s21, s11, $0xb8;
	[tilespmem:$0x10600] =	vst v63  }
0x2e: {  	s14 =	simm.s32 $0x7;
	p0 =	seq.s32 s12, $0x0  }
0x2f: {  	[tilespmem:s24], [sflag:$0x2] =	stream.indirect.gather [hbm4b:s3+s11], $0x20, s23, s11, $0xb8;
	[tilespmem:$0x10600] =	vst v63  }
0x30: {  	v17 =	vmov s14;
	s6 =	simm.s32 @!p0 $0x3;
	s9 =	simm.s32 $0x0  }
0x31: {  	v17 =	vshrl.u32 v17, $0x3;
	v18 =	vmov s9;
	[tilespmem:s26], [sflag:$0x2] =	stream.indirect.gather [hbm4b:s3+s11], $0x20, s25, s11, $0xb8;
	[tilespmem:$0x10600] =	vst v63  }
0x32: {  	v17 =	vshll.u32 v17, v1;
	v18 =	vshrl.u32 v18, $0x3;
	_ =	swait.ge @!p0 [sflag:s6], $0x4000  }
0x33: {  	s16 =	simm.s32 $0x1;
	v17 =	vbroadcast v17, $0x0;
	v18 =	vshll.u32 v18, v1;
	[sflag:s6] =	ssyncset.done @!p0 $0x0  }
0x34: {  	s17 =	simm.s32 $0x2;
	s14 =	simm.s32 $0x480;
	v19 =	vmov s16;
	v18 =	vbroadcast v18, $0x0;
	[sflag:s6] =	ssyncadd.s32 @!p0 $0xFFFFC000  }
0x35: {  	v22 =	vmov s17;
	v19 =	vshrl.u32 v19, $0x3;
	v21 =	vadd.s32 v15, v17;
	v20 =	vld [tilespmem:s14+$0x60]  }
0x36: {  	v22 =	vshrl.u32 v22, $0x3;
	v19 =	vshll.u32 v19, v1;
	v25 =	vadd.s32 v0, v18;
	v24 =	vld [tilespmem:s14+$0xFFFFFF80]  }
0x37: {  	s31 =	simm.s32 $0x3;
	v22 =	vshll.u32 v22, v1;
	v19 =	vbroadcast v19, $0x0;
	v17 =	vadd.s32 v16, v17;
	v23 =	vld [tilespmem:s14+$0x70]  }
0x38: {  	v27 =	vmov s31;
	v22 =	vbroadcast v22, $0x0;
	v18 =	vadd.s32 v2, v18;
	v26 =	vld [tilespmem:s14+$0xFFFFFF90]  }
0x39: {  	v27 =	vshrl.u32 v27, $0x3;
	v29 =	vadd.s32 v3, v19;
	v31 =	vadd.s32 v4, v19;
	s9 =	simm.s32 $0x4;
	v28 =	vld [tilespmem:s14+$0xFFFFFFA0]  }
0x3a: {  	v19 =	vshll.u32 v27, v1;
	v33 =	vadd.s32 v5, v22;
	v27 =	vmov s9;
	v32 =	vld [tilespmem:s14+$0xFFFFFFC0];
	[tilespmem:v21+s28+$0x0] =	vst.idx.msk $0xffff, v20  }
0x3b: {  	s16 =	simm.s32 $0x5;
	v34 =	vbroadcast v19, $0x0;
	v19 =	vshrl.u32 v27, $0x3;
	v30 =	vld [tilespmem:s14+$0xFFFFFFB0];
	[tilespmem:v25+s28+$0x0] =	vst.idx.msk $0xffff, v24  }
0x3c: {  	v19 =	vshll.u32 v19, v1;
	v20 =	vld [tilespmem:s14+$0xFFFFFFD0];
	v25 =	vadd.s32 v6, v22;
	v22 =	vmov s16;
	[tilespmem:v17+s28+$0x0] =	vst.idx.msk $0xffff, v23  }
0x3d: {  	s17 =	simm.s32 $0x6;
	v35 =	vbroadcast v19, $0x0;
	v21 =	vadd.s32 v7, v34;
	[tilespmem:v18+s28+$0x0] =	vst.idx.msk $0xffff, v26;
	v17 =	vld [tilespmem:s14+$0xFFFFFFE0];
	v18 =	vshrl.u32 v22, $0x3  }
0x3e: {  	v19 =	vld [tilespmem:s14+$0xFFFFFFF0];
	[tilespmem:v29+s28+$0x0] =	vst.idx.msk $0xffff, v28;
	v23 =	vadd.s32 v8, v34;
	v22 =	vmov s17;
	v18 =	vshll.u32 v18, v1  }
0x3f: {  	s31 =	simm.s32 $0xF;
	v24 =	vld [tilespmem:s14+$0x0];
	[tilespmem:v33+s28+$0x0] =	vst.idx.msk $0xffff, v32;
	v26 =	vadd.s32 v9, v35;
	v29 =	vshrl.u32 v22, $0x3;
	v27 =	vbroadcast v18, $0x0  }
0x40: {  	s16 =	simm.s32 $0x8;
	v28 =	vmov s31;
	[tilespmem:v31+s28+$0x0] =	vst.idx.msk $0xffff, v30;
	s17 =	simm.s32 $0x10;
	v22 =	vadd.s32 v10, v35;
	v18 =	vld [tilespmem:s14+$0x10];
	v29 =	vshll.u32 v29, v1  }
.LBB2_3:
0x41: {  	p0 =	slt.u32 s17, $0x1F8;
	v28 =	vshrl.u32 v28, $0x3;
	[tilespmem:v25+s28+$0x0] =	vst.idx.msk $0xffff, v20;
	v20 =	vld [tilespmem:s14+$0x20];
	v25 =	vadd.s32 v11, v27;
	v29 =	vbroadcast v29, $0x0  }
0x42: {  	v30 =	vmov s16;
	v28 =	vshll.u32 v28, v1;
	[tilespmem:v21+s28+$0x0] =	vst.idx.msk $0xffff, v17;
	v17 =	vld [tilespmem:s14+$0x30];
	v21 =	vadd.s32 v12, v27  }
0x43: {  	s6 =	sadd.s32 $0x1, s16;
	v27 =	vshrl.u32 v30, $0x3;
	v28 =	vbroadcast v28, $0x0;
	[tilespmem:v23+s28+$0x0] =	vst.idx.msk $0xffff, v19;
	v19 =	vld [tilespmem:s14+$0x40];
	v23 =	vadd.s32 v13, v29  }
0x44: {  	v30 =	vmov s6;
	v27 =	vshll.u32 v27, v1;
	[tilespmem:v26+s28+$0x0] =	vst.idx.msk $0xffff, v24;
	v24 =	vld [tilespmem:s14+$0x50];
	v26 =	vadd.s32 v14, v29;
	s14 =	sadd.s32 $0x100, s14  }
0x45: {  	s6 =	sadd.s32 $0x2, s16;
	v27 =	vbroadcast v27, $0x0;
	v29 =	vshrl.u32 v30, $0x3;
	v30 =	vld [tilespmem:s14+$0x60];
	v31 =	vadd.s32 v15, v28;
	[tilespmem:v22+s28+$0x0] =	vst.idx.msk $0xffff, v18  }
0x46: {  	v18 =	vshll.u32 v29, v1;
	v22 =	vmov s6;
	v28 =	vadd.s32 v16, v28;
	v29 =	vld [tilespmem:s14+$0x70];
	[tilespmem:v25+s28+$0x0] =	vst.idx.msk $0xffff, v20  }
0x47: {  	s6 =	sadd.s32 $0x3, s16;
	v25 =	vadd.s32 v0, v27;
	v18 =	vbroadcast v18, $0x0;
	v22 =	vshrl.u32 v22, $0x3;
	v20 =	vld [tilespmem:s14+$0xFFFFFF80];
	[tilespmem:v21+s28+$0x0] =	vst.idx.msk $0xffff, v17  }
0x48: {  	v21 =	vadd.s32 v2, v27;
	v22 =	vshll.u32 v22, v1;
	v27 =	vmov s6;
	v17 =	vld [tilespmem:s14+$0xFFFFFF90];
	[tilespmem:v23+s28+$0x0] =	vst.idx.msk $0xffff, v19  }
0x49: {  	s6 =	sadd.s32 $0x4, s16;
	v23 =	vadd.s32 v3, v18;
	v22 =	vbroadcast v22, $0x0;
	v27 =	vshrl.u32 v27, $0x3;
	v19 =	vld [tilespmem:s14+$0xFFFFFFA0];
	[tilespmem:v26+s28+$0x0] =	vst.idx.msk $0xffff, v24  }
0x4a: {  	v18 =	vadd.s32 v4, v18;
	v26 =	vshll.u32 v27, v1;
	v27 =	vmov s6;
	v24 =	vld [tilespmem:s14+$0xFFFFFFB0];
	[tilespmem:v31+s28+$0x0] =	vst.idx.msk $0xffff, v30  }
0x4b: {  	s6 =	sadd.s32 $0x5, s16;
	v31 =	vadd.s32 v5, v22;
	v26 =	vbroadcast v26, $0x0;
	v27 =	vshrl.u32 v27, $0x3;
	v30 =	vld [tilespmem:s14+$0xFFFFFFC0];
	[tilespmem:v28+s28+$0x0] =	vst.idx.msk $0xffff, v29  }
.Ltmp0:
0x4c: {  	[tilespmem:v25+s28+$0x0] =	vst.idx.msk $0xffff, v20;
	v20 =	vld [tilespmem:s14+$0xFFFFFFD0];
	v25 =	vadd.s32 v6, v22;
	v22 =	vshll.u32 v27, v1;
	v27 =	vmov s6;
	(pc) =	sbr.rel @p0 .LBB2_3-.Ltmp0, $4  }
0x4d: {  	s6 =	sadd.s32 $0x6, s16;
	s16 =	smov.u32 s17;
	[tilespmem:v21+s28+$0x0] =	vst.idx.msk $0xffff, v17;
	v17 =	vld [tilespmem:s14+$0xFFFFFFE0];
	v21 =	vadd.s32 v7, v26;
	v22 =	vbroadcast v22, $0x0;
	v27 =	vshrl.u32 v27, $0x3  }
0x4e: {  	v28 =	vmov s6;
	[tilespmem:v23+s28+$0x0] =	vst.idx.msk $0xffff, v19;
	v19 =	vld [tilespmem:s14+$0xFFFFFFF0];
	v23 =	vadd.s32 v8, v26;
	v27 =	vshll.u32 v27, v1  }
0x4f: {  	s6 =	sadd.s32 $0x7, s17;
	v29 =	vshrl.u32 v28, $0x3;
	[tilespmem:v18+s28+$0x0] =	vst.idx.msk $0xffff, v24;
	v24 =	vld [tilespmem:s14+$0x0];
	v26 =	vadd.s32 v9, v22;
	v27 =	vbroadcast v27, $0x0  }
0x50: {  	s17 =	sadd.s32 $0x8, s17;
	v28 =	vmov s6;
	v22 =	vadd.s32 v10, v22;
	v29 =	vshll.u32 v29, v1;
	[tilespmem:v31+s28+$0x0] =	vst.idx.msk $0xffff, v30;
	v18 =	vld [tilespmem:s14+$0x10]  }
0x51: {  	_ =	sdelay $0x2  }
0x52: {  	v28 =	vshrl.u32 v28, $0x3  }
0x53: {  	[tilespmem:v25+s28+$0x0] =	vst.idx.msk $0xffff, v20;
	v59 =	vld [tilespmem:s14+$0x20];
	v60 =	vadd.s32 v11, v27;
	v29 =	vbroadcast v29, $0x0;
	v30 =	vmov s16  }
0x54: {  	v61 =	vadd.s32 v12, v27;
	s6 =	sadd.s32 $0x1, s16;
	v28 =	vshll.u32 v28, v1;
	[tilespmem:v21+s28+$0x0] =	vst.idx.msk $0xffff, v17;
	v17 =	vld [tilespmem:s14+$0x30];
	v62 =	vshrl.u32 v30, $0x3  }
0x55: {  	s9 =	sadd.s32 $0x2, s16;
	v33 =	vmov s6;
	v28 =	vbroadcast v28, $0x0;
	[tilespmem:v23+s28+$0x0] =	vst.idx.msk $0xffff, v19;
	v19 =	vld [tilespmem:s14+$0x40];
	v63 =	vadd.s32 v13, v29  }
0x56: {  	v34 =	vld [tilespmem:s14+$0x50];
	v38 =	vmov s9;
	v27 =	vshll.u32 v62, v1;
	v35 =	vadd.s32 v14, v29;
	s14 =	sadd.s32 $0x100, s14;
	[tilespmem:v26+s28+$0x0] =	vst.idx.msk $0xffff, v24  }
0x57: {  	s17 =	sadd.s32 $0x3, s16;
	v36 =	vshrl.u32 v33, $0x3;
	v27 =	vbroadcast v27, $0x0;
	v37 =	vld [tilespmem:s14+$0x60];
	v31 =	vadd.s32 v15, v28;
	[tilespmem:v22+s28+$0x0] =	vst.idx.msk $0xffff, v18  }
0x58: {  	v43 =	vmov s17;
	v39 =	vld [tilespmem:s14+$0x70];
	v18 =	vshll.u32 v36, v1;
	v28 =	vadd.s32 v16, v28;
	[tilespmem:v60+s28+$0x0] =	vst.idx.msk $0xffff, v59  }
0x59: {  	s9 =	sadd.s32 $0x4, s16;
	v40 =	vld [tilespmem:s14+$0xFFFFFF80];
	v22 =	vshrl.u32 v38, $0x3;
	v41 =	vadd.s32 v0, v27;
	v18 =	vbroadcast v18, $0x0;
	[tilespmem:v61+s28+$0x0] =	vst.idx.msk $0xffff, v17  }
0x5a: {  	v47 =	vmov s9;
	v42 =	vadd.s32 v2, v27;
	v22 =	vshll.u32 v22, v1;
	v17 =	vld [tilespmem:s14+$0xFFFFFF90];
	[tilespmem:v63+s28+$0x0] =	vst.idx.msk $0xffff, v19  }
0x5b: {  	s17 =	sadd.s32 $0x5, s16;
	v27 =	vshrl.u32 v43, $0x3;
	v22 =	vbroadcast v22, $0x0;
	v19 =	vld [tilespmem:s14+$0xFFFFFFA0];
	v44 =	vadd.s32 v3, v18;
	[tilespmem:v35+s28+$0x0] =	vst.idx.msk $0xffff, v34  }
0x5c: {  	v52 =	vmov s17;
	v45 =	vld [tilespmem:s14+$0xFFFFFFB0];
	v46 =	vshll.u32 v27, v1;
	v18 =	vadd.s32 v4, v18;
	[tilespmem:v31+s28+$0x0] =	vst.idx.msk $0xffff, v37  }
0x5d: {  	v48 =	vld [tilespmem:s14+$0xFFFFFFC0];
	v27 =	vshrl.u32 v47, $0x3;
	v26 =	vbroadcast v46, $0x0;
	v49 =	vadd.s32 v5, v22;
	[tilespmem:v28+s28+$0x0] =	vst.idx.msk $0xffff, v39  }
0x5e: {  	v50 =	vld [tilespmem:s14+$0xFFFFFFD0];
	v51 =	vshll.u32 v27, v1;
	v27 =	vshrl.u32 v52, $0x3;
	v22 =	vadd.s32 v6, v22;
	[tilespmem:v41+s28+$0x0] =	vst.idx.msk $0xffff, v40  }
0x5f: {  	s9 =	sadd.s32 $0x6, s16;
	v25 =	vbroadcast v51, $0x0;
	v55 =	vshll.u32 v27, v1;
	v53 =	vadd.s32 v7, v26;
	[tilespmem:v42+s28+$0x0] =	vst.idx.msk $0xffff, v17;
	v17 =	vld [tilespmem:s14+$0xFFFFFFE0]  }
0x60: {  	v56 =	vmov s9;
	v54 =	vadd.s32 v8, v26;
	v26 =	vbroadcast v55, $0x0;
	[tilespmem:v44+s28+$0x0] =	vst.idx.msk $0xffff, v19;
	v19 =	vld [tilespmem:s14+$0xFFFFFFF0]  }
0x61: {  	v27 =	vshrl.u32 v56, $0x3;
	v57 =	vadd.s32 v9, v25;
	[tilespmem:v18+s28+$0x0] =	vst.idx.msk $0xffff, v45;
	v18 =	vld [tilespmem:s14+$0x0]  }
0x62: {  	v59 =	vld [tilespmem:s14+$0x20];
	v27 =	vshll.u32 v27, v1;
	v60 =	vadd.s32 v11, v26;
	[tilespmem:v49+s28+$0x0] =	vst.idx.msk $0xffff, v48  }
0x63: {  	v58 =	vld [tilespmem:s14+$0x10];
	v25 =	vadd.s32 v10, v25;
	v27 =	vbroadcast v27, $0x0;
	[tilespmem:v22+s28+$0x0] =	vst.idx.msk $0xffff, v50  }
0x64: {  	v61 =	vadd.s32 v12, v26;
	[tilespmem:v53+s28+$0x0] =	vst.idx.msk $0xffff, v17;
	v17 =	vld [tilespmem:s14+$0x30]  }
0x65: {  	v62 =	vadd.s32 v13, v27;
	[tilespmem:v54+s28+$0x0] =	vst.idx.msk $0xffff, v19;
	v19 =	vld [tilespmem:s14+$0x40]  }
0x66: {  	v63 =	vadd.s32 v14, v27;
	[tilespmem:v57+s28+$0x0] =	vst.idx.msk $0xffff, v18;
	v18 =	vld [tilespmem:s14+$0x50]  }
0x67: {  	[tilespmem:v60+s28+$0x0] =	vst.idx.msk $0xffff, v59  }
0x68: {  	s16 =	sshll.u32 s13, $0xB;
	s13 =	sand.u32 $0x180, s15;
	[tilespmem:v25+s28+$0x0] =	vst.idx.msk $0xffff, v58  }
0x69: {  	s17 =	sadd.s32 s4, s13;
	s14 =	sand.u32 $0xFFFC000, s16;
	[tilespmem:v61+s28+$0x0] =	vst.idx.msk $0xffff, v17  }
0x6a: {  	s6 =	simm.s32 $0x200;
	s16 =	sadd.s32 s14, s17;
	[tilespmem:v62+s28+$0x0] =	vst.idx.msk $0xffff, v19  }
0x6b: {  	s9 =	simm.s32 $0x8608;
	s17 =	simm.s32 $0x8400;
	s31 =	sadd.s32 $0x0, s16;
	[tilespmem:v63+s28+$0x0] =	vst.idx.msk $0xffff, v18  }
.LBB2_5:
0x6c: {  	[hbm4b:s31+s2] =	stream.linear.scatter [tilespmem:s17], [sflag:$0x3], $0x200, $0x38;
	[tilespmem:$0x10600] =	vst v63  }
0x6d: {  	s31 =	smov.u32 s6;
	s17 =	smov.u32 s9;
	p0 =	sne.s32 s6, $0x3E00  }
.Ltmp1:
0x6e: {  	s6 =	sadd.s32 $0x200, s6;
	(pc) =	sbr.rel @p0 .LBB2_5-.Ltmp1, $2  }
0x6f: {  	_ =	sdelay $0x2  }
0x70: {  	s9 =	sadd.s32 $0x208, s9;
	s31 =	sadd.s32 s31, s16  }
0x71: {  	[hbm4b:s31+s2] =	stream.linear.scatter [tilespmem:s17], [sflag:$0x3], $0x200, $0x38;
	[tilespmem:$0x10600] =	vst v63  }
0x72: {  	_ =	swait.ge [sflag:s29], $0x1000  }
0x73: {  	[sflag:s29] =	ssyncset.done $0x0  }
0x74: {  	[sflag:s29] =	ssyncadd.s32 $0xFFFFF000  }
0x75: {  	_ =	swait.ge [sflag:s29], $0x1000  }
0x76: {  	[sflag:s29] =	ssyncset.done $0x0  }
0x77: {  	[sflag:s29] =	ssyncadd.s32 $0xFFFFF000  }
0x78: {  	_ =	swait.ge [sflag:s29], $0x1000  }
0x79: {  	[sflag:s29] =	ssyncset.done $0x0  }
0x7a: {  	[sflag:s29] =	ssyncadd.s32 $0xFFFFF000  }
0x7b: {  	_ =	swait.ge [sflag:s29], $0x1000  }
0x7c: {  	p0 =	seq.s32 s12, $0x18;
	[sflag:s29] =	ssyncset.done $0x0  }
0x7d: {  	s6 =	sadd.s32 @!p0 s15, s8;
	s9 =	simm.s32 @!p0 $0x0;
	[sflag:s29] =	ssyncadd.s32 $0xFFFFF000  }
0x7e: {  	[tilespmem:s9], [sflag:$0x5] =	stream.linear.gather @!p0 [hbm4b:s6+s9], $0x200, $0x38;
	[tilespmem:$0x10600] =	vst v63  }
0x7f: {  	s6 =	simm.s32 @!p0 $0x5  }
0x80: {  	_ =	swait.ge @!p0 [sflag:s6], $0x200  }
0x81: {  	[sflag:s6] =	ssyncset.done @!p0 $0x0  }
0x82: {  	s15 =	simm.s32 @!p0 $0x400;
	[sflag:s6] =	ssyncadd.s32 @!p0 $0xFFFFFE00;
	s6 =	simm.s32 @!p0 $0x80  }
0x83: {  	[tilespmem:s15], [sflag:$0x1] =	stream.indirect.gather @!p0 [hbm4b:s3+s6], $0x20, s9, s6, $0xb8;
	[tilespmem:$0x10600] =	vst v63  }
0x84: {  	s9 =	simm.s32 @!p0 $0x1400  }
0x85: {  	[tilespmem:s9], [sflag:$0x1] =	stream.indirect.gather @!p0 [hbm4b:s3+s6], $0x20, s6, s6, $0xb8;
	[tilespmem:$0x10600] =	vst v63  }
0x86: {  	s15 =	simm.s32 @!p0 $0x2400;
	s9 =	simm.s32 @!p0 $0x100  }
0x87: {  	[tilespmem:s15], [sflag:$0x1] =	stream.indirect.gather @!p0 [hbm4b:s3+s6], $0x20, s9, s6, $0xb8;
	[tilespmem:$0x10600] =	vst v63  }
0x88: {  	s9 =	simm.s32 @!p0 $0x180;
	s15 =	simm.s32 @!p0 $0x3400  }
0x89: {  	[tilespmem:s15], [sflag:$0x1] =	stream.indirect.gather @!p0 [hbm4b:s3+s6], $0x20, s9, s6, $0xb8;
	[tilespmem:$0x10600] =	vst v63  }
0x8a: {  	s9 =	simm.s32 $0x7  }
0x8b: {  	p1 =	seq.s32 @!p0 s12, $0x0;
	s15 =	simm.s32 $0x0;
	v17 =	vmov s9  }
0x8c: {  	p0 =	por p0, !p1;
	v18 =	vmov s15;
	v17 =	vshrl.u32 v17, $0x3  }
0x8d: {  	_ =	swait.ge @p0 [sflag:s0], $0x4000;
	v18 =	vshrl.u32 v18, $0x3;
	v17 =	vshll.u32 v17, v1  }
0x8e: {  	s16 =	simm.s32 $0x1;
	[sflag:s0] =	ssyncset.done @p0 $0x0;
	v18 =	vshll.u32 v18, v1;
	v17 =	vbroadcast v17, $0x0  }
0x8f: {  	v19 =	vmov s16;
	s15 =	simm.s32 $0x44F0;
	[sflag:s0] =	ssyncadd.s32 @p0 $0xFFFFC000;
	v18 =	vbroadcast v18, $0x0  }
0x90: {  	s17 =	simm.s32 $0x2;
	v19 =	vshrl.u32 v19, $0x3;
	v20 =	vld [tilespmem:s15+$0xFFFFFFF0];
	v21 =	vadd.s32 v15, v17  }
0x91: {  	v22 =	vmov s17;
	v19 =	vshll.u32 v19, v1;
	v24 =	vld [tilespmem:s15+$0xFFFFFF10];
	v25 =	vadd.s32 v0, v18  }
0x92: {  	s31 =	simm.s32 $0x3;
	v22 =	vshrl.u32 v22, $0x3;
	v19 =	vbroadcast v19, $0x0;
	v23 =	vld [tilespmem:s15+$0x0];
	v17 =	vadd.s32 v16, v17  }
0x93: {  	v27 =	vmov s31;
	v22 =	vshll.u32 v22, v1;
	v26 =	vld [tilespmem:s15+$0xFFFFFF20];
	v18 =	vadd.s32 v2, v18  }
0x94: {  	v27 =	vshrl.u32 v27, $0x3;
	v22 =	vbroadcast v22, $0x0;
	v29 =	vadd.s32 v3, v19;
	s9 =	simm.s32 $0x4;
	v28 =	vld [tilespmem:s15+$0xFFFFFF30]  }
0x95: {  	v31 =	vadd.s32 v4, v19;
	v19 =	vshll.u32 v27, v1;
	v27 =	vmov s9;
	v30 =	vld [tilespmem:s15+$0xFFFFFF40];
	[tilespmem:v21+s30+$0x0] =	vst.idx.msk $0xffff, v20  }
0x96: {  	s16 =	simm.s32 $0x5;
	v33 =	vadd.s32 v5, v22;
	v34 =	vbroadcast v19, $0x0;
	v19 =	vshrl.u32 v27, $0x3;
	v32 =	vld [tilespmem:s15+$0xFFFFFF50];
	[tilespmem:v25+s30+$0x0] =	vst.idx.msk $0xffff, v24  }
0x97: {  	v19 =	vshll.u32 v19, v1;
	v20 =	vld [tilespmem:s15+$0xFFFFFF60];
	v25 =	vadd.s32 v6, v22;
	v22 =	vmov s16;
	[tilespmem:v17+s30+$0x0] =	vst.idx.msk $0xffff, v23  }
0x98: {  	s17 =	simm.s32 $0x6;
	v35 =	vbroadcast v19, $0x0;
	v21 =	vadd.s32 v7, v34;
	[tilespmem:v18+s30+$0x0] =	vst.idx.msk $0xffff, v26;
	v17 =	vld [tilespmem:s15+$0xFFFFFF70];
	v18 =	vshrl.u32 v22, $0x3  }
0x99: {  	v19 =	vld [tilespmem:s15+$0xFFFFFF80];
	[tilespmem:v29+s30+$0x0] =	vst.idx.msk $0xffff, v28;
	v23 =	vadd.s32 v8, v34;
	v22 =	vmov s17;
	v18 =	vshll.u32 v18, v1  }
0x9a: {  	s31 =	simm.s32 $0xF;
	[tilespmem:v31+s30+$0x0] =	vst.idx.msk $0xffff, v30;
	v24 =	vld [tilespmem:s15+$0xFFFFFF90];
	v26 =	vadd.s32 v9, v35;
	v29 =	vshrl.u32 v22, $0x3;
	v27 =	vbroadcast v18, $0x0  }
0x9b: {  	v28 =	vmov s31;
	s16 =	simm.s32 $0x8;
	[tilespmem:v33+s30+$0x0] =	vst.idx.msk $0xffff, v32;
	s17 =	simm.s32 $0x10;
	v22 =	vadd.s32 v10, v35;
	v18 =	vld [tilespmem:s15+$0xFFFFFFA0];
	v29 =	vshll.u32 v29, v1  }
.LBB2_7:
0x9c: {  	p0 =	slt.u32 s17, $0x1F8;
	v28 =	vshrl.u32 v28, $0x3;
	[tilespmem:v25+s30+$0x0] =	vst.idx.msk $0xffff, v20;
	v20 =	vld [tilespmem:s15+$0xFFFFFFB0];
	v25 =	vadd.s32 v11, v27;
	v29 =	vbroadcast v29, $0x0  }
0x9d: {  	v30 =	vmov s16;
	v28 =	vshll.u32 v28, v1;
	[tilespmem:v21+s30+$0x0] =	vst.idx.msk $0xffff, v17;
	v17 =	vld [tilespmem:s15+$0xFFFFFFC0];
	v21 =	vadd.s32 v12, v27  }
0x9e: {  	s6 =	sadd.s32 $0x1, s16;
	v27 =	vshrl.u32 v30, $0x3;
	v28 =	vbroadcast v28, $0x0;
	[tilespmem:v23+s30+$0x0] =	vst.idx.msk $0xffff, v19;
	v19 =	vld [tilespmem:s15+$0xFFFFFFD0];
	v23 =	vadd.s32 v13, v29  }
0x9f: {  	v30 =	vmov s6;
	v27 =	vshll.u32 v27, v1;
	[tilespmem:v26+s30+$0x0] =	vst.idx.msk $0xffff, v24;
	v24 =	vld [tilespmem:s15+$0xFFFFFFE0];
	v26 =	vadd.s32 v14, v29;
	s15 =	sadd.s32 $0x100, s15  }
0xa0: {  	s6 =	sadd.s32 $0x2, s16;
	v27 =	vbroadcast v27, $0x0;
	v29 =	vshrl.u32 v30, $0x3;
	v30 =	vld [tilespmem:s15+$0xFFFFFFF0];
	v31 =	vadd.s32 v15, v28;
	[tilespmem:v22+s30+$0x0] =	vst.idx.msk $0xffff, v18  }
0xa1: {  	v18 =	vshll.u32 v29, v1;
	v22 =	vmov s6;
	v28 =	vadd.s32 v16, v28;
	v29 =	vld [tilespmem:s15+$0x0];
	[tilespmem:v25+s30+$0x0] =	vst.idx.msk $0xffff, v20  }
0xa2: {  	s6 =	sadd.s32 $0x3, s16;
	v25 =	vadd.s32 v0, v27;
	v18 =	vbroadcast v18, $0x0;
	v22 =	vshrl.u32 v22, $0x3;
	v20 =	vld [tilespmem:s15+$0xFFFFFF10];
	[tilespmem:v21+s30+$0x0] =	vst.idx.msk $0xffff, v17  }
0xa3: {  	v21 =	vadd.s32 v2, v27;
	v22 =	vshll.u32 v22, v1;
	v27 =	vmov s6;
	v17 =	vld [tilespmem:s15+$0xFFFFFF20];
	[tilespmem:v23+s30+$0x0] =	vst.idx.msk $0xffff, v19  }
0xa4: {  	s6 =	sadd.s32 $0x4, s16;
	v23 =	vadd.s32 v3, v18;
	v22 =	vbroadcast v22, $0x0;
	v27 =	vshrl.u32 v27, $0x3;
	v19 =	vld [tilespmem:s15+$0xFFFFFF30];
	[tilespmem:v26+s30+$0x0] =	vst.idx.msk $0xffff, v24  }
0xa5: {  	v18 =	vadd.s32 v4, v18;
	v26 =	vshll.u32 v27, v1;
	v27 =	vmov s6;
	v24 =	vld [tilespmem:s15+$0xFFFFFF40];
	[tilespmem:v31+s30+$0x0] =	vst.idx.msk $0xffff, v30  }
0xa6: {  	s6 =	sadd.s32 $0x5, s16;
	v31 =	vadd.s32 v5, v22;
	v26 =	vbroadcast v26, $0x0;
	v27 =	vshrl.u32 v27, $0x3;
	v30 =	vld [tilespmem:s15+$0xFFFFFF50];
	[tilespmem:v28+s30+$0x0] =	vst.idx.msk $0xffff, v29  }
.Ltmp2:
0xa7: {  	[tilespmem:v25+s30+$0x0] =	vst.idx.msk $0xffff, v20;
	v20 =	vld [tilespmem:s15+$0xFFFFFF60];
	v25 =	vadd.s32 v6, v22;
	v22 =	vshll.u32 v27, v1;
	v27 =	vmov s6;
	(pc) =	sbr.rel @p0 .LBB2_7-.Ltmp2, $4  }
0xa8: {  	s6 =	sadd.s32 $0x6, s16;
	s16 =	smov.u32 s17;
	[tilespmem:v21+s30+$0x0] =	vst.idx.msk $0xffff, v17;
	v17 =	vld [tilespmem:s15+$0xFFFFFF70];
	v21 =	vadd.s32 v7, v26;
	v22 =	vbroadcast v22, $0x0;
	v27 =	vshrl.u32 v27, $0x3  }
0xa9: {  	v28 =	vmov s6;
	[tilespmem:v23+s30+$0x0] =	vst.idx.msk $0xffff, v19;
	v19 =	vld [tilespmem:s15+$0xFFFFFF80];
	v23 =	vadd.s32 v8, v26;
	v27 =	vshll.u32 v27, v1  }
0xaa: {  	s6 =	sadd.s32 $0x7, s17;
	v29 =	vshrl.u32 v28, $0x3;
	[tilespmem:v18+s30+$0x0] =	vst.idx.msk $0xffff, v24;
	v24 =	vld [tilespmem:s15+$0xFFFFFF90];
	v26 =	vadd.s32 v9, v22;
	v27 =	vbroadcast v27, $0x0  }
0xab: {  	s17 =	sadd.s32 $0x8, s17;
	v28 =	vmov s6;
	v22 =	vadd.s32 v10, v22;
	v29 =	vshll.u32 v29, v1;
	[tilespmem:v31+s30+$0x0] =	vst.idx.msk $0xffff, v30;
	v18 =	vld [tilespmem:s15+$0xFFFFFFA0]  }
0xac: {  	_ =	sdelay $0x2  }
0xad: {  	v28 =	vshrl.u32 v28, $0x3  }
0xae: {  	[tilespmem:v25+s30+$0x0] =	vst.idx.msk $0xffff, v20;
	v59 =	vld [tilespmem:s15+$0xFFFFFFB0];
	v60 =	vadd.s32 v11, v27;
	v29 =	vbroadcast v29, $0x0;
	v30 =	vmov s16  }
0xaf: {  	v61 =	vadd.s32 v12, v27;
	s6 =	sadd.s32 $0x1, s16;
	v28 =	vshll.u32 v28, v1;
	[tilespmem:v21+s30+$0x0] =	vst.idx.msk $0xffff, v17;
	v17 =	vld [tilespmem:s15+$0xFFFFFFC0];
	v62 =	vshrl.u32 v30, $0x3  }
0xb0: {  	s9 =	sadd.s32 $0x2, s16;
	v33 =	vmov s6;
	v28 =	vbroadcast v28, $0x0;
	[tilespmem:v23+s30+$0x0] =	vst.idx.msk $0xffff, v19;
	v19 =	vld [tilespmem:s15+$0xFFFFFFD0];
	v63 =	vadd.s32 v13, v29  }
0xb1: {  	v34 =	vld [tilespmem:s15+$0xFFFFFFE0];
	v38 =	vmov s9;
	v27 =	vshll.u32 v62, v1;
	v35 =	vadd.s32 v14, v29;
	s15 =	sadd.s32 $0x100, s15;
	[tilespmem:v26+s30+$0x0] =	vst.idx.msk $0xffff, v24  }
0xb2: {  	s17 =	sadd.s32 $0x3, s16;
	v36 =	vshrl.u32 v33, $0x3;
	v27 =	vbroadcast v27, $0x0;
	v37 =	vld [tilespmem:s15+$0xFFFFFFF0];
	v31 =	vadd.s32 v15, v28;
	[tilespmem:v22+s30+$0x0] =	vst.idx.msk $0xffff, v18  }
0xb3: {  	v43 =	vmov s17;
	v39 =	vld [tilespmem:s15+$0x0];
	v18 =	vshll.u32 v36, v1;
	v28 =	vadd.s32 v16, v28;
	[tilespmem:v60+s30+$0x0] =	vst.idx.msk $0xffff, v59  }
0xb4: {  	s31 =	sadd.s32 $0x4, s16;
	v40 =	vld [tilespmem:s15+$0xFFFFFF10];
	v22 =	vshrl.u32 v38, $0x3;
	v41 =	vadd.s32 v0, v27;
	v18 =	vbroadcast v18, $0x0;
	[tilespmem:v61+s30+$0x0] =	vst.idx.msk $0xffff, v17  }
0xb5: {  	v47 =	vmov s31;
	v42 =	vadd.s32 v2, v27;
	v22 =	vshll.u32 v22, v1;
	v17 =	vld [tilespmem:s15+$0xFFFFFF20];
	[tilespmem:v63+s30+$0x0] =	vst.idx.msk $0xffff, v19  }
0xb6: {  	s9 =	sadd.s32 $0x5, s16;
	v27 =	vshrl.u32 v43, $0x3;
	v22 =	vbroadcast v22, $0x0;
	v19 =	vld [tilespmem:s15+$0xFFFFFF30];
	v44 =	vadd.s32 v3, v18;
	[tilespmem:v35+s30+$0x0] =	vst.idx.msk $0xffff, v34  }
0xb7: {  	v52 =	vmov s9;
	v45 =	vld [tilespmem:s15+$0xFFFFFF40];
	v46 =	vshll.u32 v27, v1;
	v18 =	vadd.s32 v4, v18;
	[tilespmem:v31+s30+$0x0] =	vst.idx.msk $0xffff, v37  }
0xb8: {  	v48 =	vld [tilespmem:s15+$0xFFFFFF50];
	v27 =	vshrl.u32 v47, $0x3;
	v26 =	vbroadcast v46, $0x0;
	v49 =	vadd.s32 v5, v22;
	[tilespmem:v28+s30+$0x0] =	vst.idx.msk $0xffff, v39  }
0xb9: {  	v50 =	vld [tilespmem:s15+$0xFFFFFF60];
	v51 =	vshll.u32 v27, v1;
	v27 =	vshrl.u32 v52, $0x3;
	v22 =	vadd.s32 v6, v22;
	[tilespmem:v41+s30+$0x0] =	vst.idx.msk $0xffff, v40  }
0xba: {  	s17 =	sadd.s32 $0x6, s16;
	v25 =	vbroadcast v51, $0x0;
	v55 =	vshll.u32 v27, v1;
	v53 =	vadd.s32 v7, v26;
	[tilespmem:v42+s30+$0x0] =	vst.idx.msk $0xffff, v17;
	v17 =	vld [tilespmem:s15+$0xFFFFFF70]  }
0xbb: {  	v56 =	vmov s17;
	v54 =	vadd.s32 v8, v26;
	v26 =	vbroadcast v55, $0x0;
	[tilespmem:v44+s30+$0x0] =	vst.idx.msk $0xffff, v19;
	v19 =	vld [tilespmem:s15+$0xFFFFFF80]  }
0xbc: {  	v27 =	vshrl.u32 v56, $0x3;
	v57 =	vadd.s32 v9, v25;
	[tilespmem:v18+s30+$0x0] =	vst.idx.msk $0xffff, v45;
	v18 =	vld [tilespmem:s15+$0xFFFFFF90]  }
0xbd: {  	v59 =	vld [tilespmem:s15+$0xFFFFFFB0];
	v27 =	vshll.u32 v27, v1;
	v60 =	vadd.s32 v11, v26;
	[tilespmem:v49+s30+$0x0] =	vst.idx.msk $0xffff, v48  }
0xbe: {  	v58 =	vld [tilespmem:s15+$0xFFFFFFA0];
	v25 =	vadd.s32 v10, v25;
	v27 =	vbroadcast v27, $0x0;
	[tilespmem:v22+s30+$0x0] =	vst.idx.msk $0xffff, v50  }
0xbf: {  	v61 =	vadd.s32 v12, v26;
	[tilespmem:v53+s30+$0x0] =	vst.idx.msk $0xffff, v17;
	v17 =	vld [tilespmem:s15+$0xFFFFFFC0]  }
0xc0: {  	v62 =	vadd.s32 v13, v27;
	[tilespmem:v54+s30+$0x0] =	vst.idx.msk $0xffff, v19;
	v19 =	vld [tilespmem:s15+$0xFFFFFFD0]  }
0xc1: {  	v63 =	vadd.s32 v14, v27;
	[tilespmem:v57+s30+$0x0] =	vst.idx.msk $0xffff, v18;
	v18 =	vld [tilespmem:s15+$0xFFFFFFE0]  }
0xc2: {  	[tilespmem:v60+s30+$0x0] =	vst.idx.msk $0xffff, v59  }
0xc3: {  	s31 =	sadd.s32 s4, s14;
	[tilespmem:v25+s30+$0x0] =	vst.idx.msk $0xffff, v58  }
0xc4: {  	s6 =	sadd.s32 s13, s31;
	[tilespmem:v61+s30+$0x0] =	vst.idx.msk $0xffff, v17  }
0xc5: {  	s14 =	simm.s32 $0xC500;
	s13 =	sadd.s32 $0x40, s6;
	[tilespmem:v62+s30+$0x0] =	vst.idx.msk $0xffff, v19  }
0xc6: {  	s9 =	simm.s32 $0xC708;
	s6 =	simm.s32 $0x200;
	s15 =	sadd.s32 $0x0, s13;
	[tilespmem:v63+s30+$0x0] =	vst.idx.msk $0xffff, v18  }
.LBB2_9:
0xc7: {  	[hbm4b:s15+s2] =	stream.linear.scatter [tilespmem:s14], [sflag:$0x4], $0x200, $0x38;
	[tilespmem:$0x10600] =	vst v63  }
0xc8: {  	s15 =	smov.u32 s6;
	s14 =	smov.u32 s9;
	p0 =	sne.s32 s6, $0x3E00  }
.Ltmp3:
0xc9: {  	s6 =	sadd.s32 $0x200, s6;
	(pc) =	sbr.rel @p0 .LBB2_9-.Ltmp3, $2  }
0xca: {  	_ =	sdelay $0x2  }
0xcb: {  	s9 =	sadd.s32 $0x208, s9;
	s15 =	sadd.s32 s15, s13  }
0xcc: {  	s12 =	sadd.s32 $0x1, s12  }
0xcd: {  	p0 =	sne.s32 s12, $0x19  }
.Ltmp4:
0xce: {  	_ = 	snop;
	(pc) =	sbr.rel @p0 .LBB2_2-.Ltmp4, $2  }
0xcf: {  	_ =	sdelay $0x2  }
0xd0: {  	[hbm4b:s15+s2] =	stream.linear.scatter [tilespmem:s14], [sflag:$0x4], $0x200, $0x38;
	[tilespmem:$0x10600] =	vst v63  }
0xd1: {  	s6 =	simm.s32 $0x3  }
0xd2: {  	_ =	swait.ge [sflag:s6], $0x4000  }
0xd3: {  	[sflag:s6] =	ssyncset.done $0x0  }
0xd4: {  	[sflag:s6] =	ssyncadd.s32 $0xFFFFC000  }
0xd5: {  	_ =	swait.ge [sflag:s0], $0x4000  }
0xd6: {  	s1 =	sadd.s32 $0x1, s1;
	s31 =	rddreg [dreg:$0x4]  }
0xd7: {  	p0 =	sne.s32 s1, s31  }
.Ltmp5:
0xd8: {  	_ = 	snop;
	(pc) =	sbr.rel @p0 .LBB2_1-.Ltmp5, $3  }
0xd9: {  	_ =	sdelay $0x1  }
0xda: {  	[sflag:s0] =	ssyncset.done $0x0  }
0xdb: {  	[sflag:s0] =	ssyncadd.s32 $0xFFFFC000  }
0xdc: {  	_ =	sfence.sel $0x180000  }
0xdd: {  	[bflag:$0x0] =	sbarrier.arrive $0xFFFF  }
0xde: {  	_ =	strace $0x90000047  }
0xdf: {  	s0 =	stileid.u32;
	[bflag:$0x2] =	sbarrier.arrive $0xFFFF  }
0xe0: {  	p0 =	sne.s32 s0, $0x0;
	s0 =	rddreg [dreg:$0x2]  }
0xe1: {  	s0 =	sadd.s32 @!p0 $0x100000, s0  }
0xe2: {  	[sflag:s0] =	ssyncadd.tile.s32 @!p0 $0x1;
	_ =	shalt  }
.Lfunc_end2:
_tile_overlayer_lowered:
.L_overlay_start_2:
0xe3: {  	(tag) =	ssettag $0x2  }
0xe4: {  	s0 =	rddreg [dreg:$0x0];
	s2 =	stileid.u32  }
0xe5: {  	s1 =	rddreg [dreg:$0x1];
	p0 =	sne.s32 s2, $0x0  }
0xe6: {  	s3 =	rddreg [dreg:$0x2];
	[bflag:$0x3] =	sbarrier.arrive $0xFFFF;
	s2 =	simm.s32 @!p0 $0x1C05  }
0xe7: {  	[timem:s3], [sflag:s2] =	dma.local @!p0 [hbm:s0], s1  }
0xe8: {  	s0 =	simm.s32 @!p0 $0x5  }
0xe9: {  	_ =	swait.ge @!p0 [sflag:s0], s1  }
0xea: {  	s1 =	ssub.s32 @!p0 $0x0, s1;
	[sflag:s0] =	ssyncset.done @!p0 $0x0  }
0xeb: {  	[sflag:s0] =	ssyncadd.s32 @!p0 s1  }
0xec: {  	[bflag:$0x3] =	sbarrier.arrive $0xFFFF  }
0xed: {  	_ =	shalt  }

</sc_bundles>
